<compile_context>
chip_gen: v7x
topology: tpu7x:2x2x1
jax: 0.10.2.dev20260603
libtpu: 0.0.44.dev20260713+nightly
codegen_flags: <defaults>
</compile_context>

<pallas_src>
import functools
import jax
import jax.numpy as jnp
from jax import lax
from jax.experimental import pallas as pl
from jax.experimental.pallas import tpu as pltpu
from jax.experimental.pallas import tpu_sc as plsc

_LEAD = 512
_B = 32
_T = 416
_TC_GRID = _T // _B

_N = _LEAD * 16384
_NW = 32
_E0 = _T * 16384
_PER_W = (_N - _E0) // _NW
_CH = 16384
_CHUNKS = _PER_W // _CH
_VPC = _CH // 16
_UNROLL = 8



def _tc_body(pred_ref, gtd_ref, msk_ref, out_ref, sacc_ref, cacc_ref):
    i = pl.program_id(0)

    @pl.when(i == 0)
    def _init():
        sacc_ref[...] = jnp.zeros_like(sacc_ref)
        cacc_ref[...] = jnp.zeros_like(cacc_ref)

    p = pred_ref[...]
    g = gtd_ref[...]
    m = msk_ref[...] > 0.0
    diff = jnp.where(m, jnp.abs(p - g), 0.0)
    cnt = m.astype(jnp.float32)
    sacc_ref[...] += jnp.sum(diff.reshape(_B * 16, 8, 128), axis=0)
    cacc_ref[...] += jnp.sum(cnt.reshape(_B * 16, 8, 128), axis=0)

    @pl.when(i == _TC_GRID - 1)
    def _fin():
        out_ref[0, 0] = jnp.sum(sacc_ref[...])
        out_ref[1, 0] = jnp.sum(cacc_ref[...])


def _tc_partials(pred3, gt3):
    return pl.pallas_call(
        _tc_body,
        grid=(_TC_GRID,),
        in_specs=[
            pl.BlockSpec((_B, 128, 128), lambda i: (i, 0, 0)),
            pl.BlockSpec((_B, 128, 128), lambda i: (i, 0, 0)),
            pl.BlockSpec((_B, 128, 128), lambda i: (i + _LEAD // _B, 0, 0)),
        ],
        out_specs=pl.BlockSpec(memory_space=pltpu.SMEM),
        out_shape=jax.ShapeDtypeStruct((2, 1), jnp.float32),
        scratch_shapes=[
            pltpu.VMEM((8, 128), jnp.float32),
            pltpu.VMEM((8, 128), jnp.float32),
        ],
    )(pred3, gt3, gt3)



def _sc_body(pred_hbm, gt_hbm, out_hbm,
             pbuf, gbuf, mbuf, obuf, psem, gsem, msem, osem):
    c = lax.axis_index("c")
    s = lax.axis_index("s")
    wid = s * 2 + c
    base = _E0 + wid * _PER_W

    def start(k, slot):
        off = base + k * _CH
        pltpu.make_async_copy(
            pred_hbm.at[pl.ds(off, _CH)], pbuf.at[slot], psem).start()
        pltpu.make_async_copy(
            gt_hbm.at[pl.ds(off, _CH)], gbuf.at[slot], gsem).start()
        pltpu.make_async_copy(
            gt_hbm.at[pl.ds(_N + off, _CH)], mbuf.at[slot], msem).start()

    def wait(k, slot):
        off = base + k * _CH
        pltpu.make_async_copy(
            pred_hbm.at[pl.ds(off, _CH)], pbuf.at[slot], psem).wait()
        pltpu.make_async_copy(
            gt_hbm.at[pl.ds(off, _CH)], gbuf.at[slot], gsem).wait()
        pltpu.make_async_copy(
            gt_hbm.at[pl.ds(_N + off, _CH)], mbuf.at[slot], msem).wait()

    start(0, 0)
    acc_s = jnp.zeros((16,), jnp.float32)
    acc_c = jnp.zeros((16,), jnp.float32)
    for k in range(_CHUNKS):
        slot = k % 2
        if k + 1 < _CHUNKS:
            start(k + 1, 1 - slot)
        wait(k, slot)

        def inner(j, accs, slot=slot):
            sa, ca = accs
            for l in range(_UNROLL):
                o = (j * _UNROLL + l) * 16
                p = pbuf[slot, pl.ds(o, 16)]
                g = gbuf[slot, pl.ds(o, 16)]
                m = mbuf[slot, pl.ds(o, 16)] > 0.0
                sa = sa + jnp.where(m, jnp.abs(p - g), 0.0)
                ca = ca + jnp.where(m, 1.0, 0.0)
            return (sa, ca)

        acc_s, acc_c = lax.fori_loop(0, _VPC // _UNROLL, inner, (acc_s, acc_c))

    obuf[pl.ds(0, 16)] = acc_s
    obuf[pl.ds(16, 16)] = acc_c
    pltpu.make_async_copy(
        obuf.at[pl.ds(0, 32)], out_hbm.at[pl.ds(wid * 32, 32)], osem).start()
    pltpu.make_async_copy(
        obuf.at[pl.ds(0, 32)], out_hbm.at[pl.ds(wid * 32, 32)], osem).wait()


def _sc_partials(pred_flat, gt_flat):
    mesh = plsc.VectorSubcoreMesh(core_axis_name="c", subcore_axis_name="s")
    k = functools.partial(
        pl.kernel,
        mesh=mesh,
        out_type=jax.ShapeDtypeStruct((_NW * 32,), jnp.float32),
        scratch_types=[
            pltpu.VMEM((2, _CH), jnp.float32),
            pltpu.VMEM((2, _CH), jnp.float32),
            pltpu.VMEM((2, _CH), jnp.float32),
            pltpu.VMEM((32,), jnp.float32),
            pltpu.SemaphoreType.DMA,
            pltpu.SemaphoreType.DMA,
            pltpu.SemaphoreType.DMA,
            pltpu.SemaphoreType.DMA,
        ],
    )(_sc_body)
    return k(pred_flat, gt_flat)


def kernel(pred, gt):
    pred3 = pred.reshape(_LEAD, 128, 128)
    gt3 = gt.reshape(2 * _LEAD, 128, 128)
    sc_sc = _sc_partials(pred.reshape(_N), gt.reshape(2 * _N))
    sc2 = sc_sc.reshape(_NW, 2, 16)
    tc = _tc_partials(pred3, gt3)
    total_s = tc[0, 0] + jnp.sum(sc2[:, 0, :])
    total_c = tc[1, 0] + jnp.sum(sc2[:, 1, :])
    return total_s / total_c

# --- scband reference (transcript-rebuilt; emitter-appended) ---
"""Pipeline reference for scband-l1-loss-4252017623435 (READ-ONLY COPY).

The authoritative reference and input builder live on the scoring server;
editing this copy changes nothing except your own understanding.
"""

import jax, jax.numpy as jnp
import numpy as np


def setup_inputs(seed: int = 0) -> dict:
    key = jax.random.key(seed)
    k1, k2 = jax.random.split(key)
    pred = jax.random.normal(k1, (4, 1, 128, 128, 128), dtype=jnp.float32)
    # gt stacks [gt_dose, possible_dose_mask] along dim 0, matching gt[0]/gt[1] indexing
    gt = jax.random.normal(k2, (2, 4, 1, 128, 128, 128), dtype=jnp.float32)
    return {"pred": pred, "gt": gt}


def reference(pred, gt):
    gt_dose = gt[0]
    possible_dose_mask = gt[1]
    mask = possible_dose_mask > 0
    # torch: pred[mask], gt_dose[mask] then mean L1 over selected elements.
    # Equivalent static-shape formulation: sum(|diff| * mask) / count(mask)
    diff = jnp.abs(pred - gt_dose)
    count = jnp.sum(mask).astype(jnp.float32)
    l1 = jnp.sum(jnp.where(mask, diff, 0.0)) / count
    return l1

if __name__ == "__main__":
    import jax
    _d = setup_inputs()
    print(jax.jit(kernel)(*tuple(_d.values())))

</pallas_src>

<mosaic_0001>
#map = affine_map<(d0, d1) -> (0)>
module attributes {stable_mosaic.version = 14 : i64} {
  func.func @_sc_body(%arg0: i32, %arg1: i32, %arg2: memref<8388608xf32, #tpu.memory_space<hbm>>, %arg3: memref<16777216xf32, #tpu.memory_space<hbm>>, %arg4: memref<1024xf32, #tpu.memory_space<hbm>>, %arg5: memref<2x16384xf32, #tpu.memory_space<vmem>>, %arg6: memref<2x16384xf32, #tpu.memory_space<vmem>>, %arg7: memref<2x16384xf32, #tpu.memory_space<vmem>>, %arg8: memref<32xf32, #tpu.memory_space<vmem>>, %arg9: memref<!tpu.dma_semaphore, #tpu.memory_space<semaphore_mem>>, %arg10: memref<!tpu.dma_semaphore, #tpu.memory_space<semaphore_mem>>, %arg11: memref<!tpu.dma_semaphore, #tpu.memory_space<semaphore_mem>>, %arg12: memref<!tpu.dma_semaphore, #tpu.memory_space<semaphore_mem>>) attributes {dimension_semantics = [#tpu.dimension_semantics<core_parallel>, #tpu.dimension_semantics<subcore_parallel>], iteration_bounds = array<i64: 2, 16>, scalar_prefetch = 0 : i64, scratch_operands = 8 : i64, tpu.core_type = #tpu.core_type<sc_vector_subcore>, window_params = [{transform_indices = #map}, {transform_indices = #map}, {transform_indices = #map}]} {
    %mul3A = arith.constant 2 : i32
    %mul3A_0 = arith.muli %arg1, %mul3A : i32
    %add3A = arith.addi %mul3A_0, %arg0 : i32
    %mul3A_1 = arith.constant 49152 : i32
    %mul3A_2 = arith.muli %add3A, %mul3A_1 : i32
    %add3A_3 = arith.constant 6815744 : i32
    %add3A_4 = arith.addi %add3A_3, %mul3A_2 : i32
    %add3A_5 = arith.constant 0 : i32
    %add3A_6 = arith.addi %add3A_4, %add3A_5 : i32
    %dma_start3A = arith.constant 0 : i32
    %dma_start3A_7 = arith.constant 0 : i32
    %dma_start3A_8 = tpu.memref_slice %arg5[%dma_start3A, %dma_start3A_7] : memref<2x16384xf32, #tpu.memory_space<vmem>> -> memref<1x16384xf32, #tpu.memory_space<vmem>>
    %dma_start3A_9 = tpu.memref_squeeze %dma_start3A_8 : memref<1x16384xf32, #tpu.memory_space<vmem>> -> memref<16384xf32, #tpu.memory_space<vmem>>
    %dma_start3A_10 = tpu.memref_slice %arg2[%add3A_6] : memref<8388608xf32, #tpu.memory_space<hbm>> -> memref<16384xf32, #tpu.memory_space<hbm>>
    %dma_start3A_11 = arith.constant 0 : i32
    %dma_start3A_12 = tpu.memref_slice %arg5[%dma_start3A, %dma_start3A_11] : memref<2x16384xf32, #tpu.memory_space<vmem>> -> memref<1x16384xf32, #tpu.memory_space<vmem>>
    %dma_start3A_13 = tpu.memref_squeeze %dma_start3A_12 : memref<1x16384xf32, #tpu.memory_space<vmem>> -> memref<16384xf32, #tpu.memory_space<vmem>>
    %dma_start3A_14 = tpu.memref_slice %arg2[%add3A_6] : memref<8388608xf32, #tpu.memory_space<hbm>> -> memref<16384xf32, #tpu.memory_space<hbm>>
    tpu.enqueue_dma source(%dma_start3A_14 : memref<16384xf32, #tpu.memory_space<hbm>>) target(%dma_start3A_13 : memref<16384xf32, #tpu.memory_space<vmem>>) target_semaphore(%arg9 : memref<!tpu.dma_semaphore, #tpu.memory_space<semaphore_mem>>)
    %dma_start3A_15 = arith.constant 0 : i32
    %dma_start3A_16 = arith.constant 0 : i32
    %dma_start3A_17 = tpu.memref_slice %arg6[%dma_start3A_15, %dma_start3A_16] : memref<2x16384xf32, #tpu.memory_space<vmem>> -> memref<1x16384xf32, #tpu.memory_space<vmem>>
    %dma_start3A_18 = tpu.memref_squeeze %dma_start3A_17 : memref<1x16384xf32, #tpu.memory_space<vmem>> -> memref<16384xf32, #tpu.memory_space<vmem>>
    %dma_start3A_19 = tpu.memref_slice %arg3[%add3A_6] : memref<16777216xf32, #tpu.memory_space<hbm>> -> memref<16384xf32, #tpu.memory_space<hbm>>
    %dma_start3A_20 = arith.constant 0 : i32
    %dma_start3A_21 = tpu.memref_slice %arg6[%dma_start3A_15, %dma_start3A_20] : memref<2x16384xf32, #tpu.memory_space<vmem>> -> memref<1x16384xf32, #tpu.memory_space<vmem>>
    %dma_start3A_22 = tpu.memref_squeeze %dma_start3A_21 : memref<1x16384xf32, #tpu.memory_space<vmem>> -> memref<16384xf32, #tpu.memory_space<vmem>>
    %dma_start3A_23 = tpu.memref_slice %arg3[%add3A_6] : memref<16777216xf32, #tpu.memory_space<hbm>> -> memref<16384xf32, #tpu.memory_space<hbm>>
    tpu.enqueue_dma source(%dma_start3A_23 : memref<16384xf32, #tpu.memory_space<hbm>>) target(%dma_start3A_22 : memref<16384xf32, #tpu.memory_space<vmem>>) target_semaphore(%arg10 : memref<!tpu.dma_semaphore, #tpu.memory_space<semaphore_mem>>)
    %add3A_24 = arith.constant 8388608 : i32
    %add3A_25 = arith.addi %add3A_24, %add3A_6 : i32
    %dma_start3A_26 = arith.constant 0 : i32
    %dma_start3A_27 = arith.constant 0 : i32
    %dma_start3A_28 = tpu.memref_slice %arg7[%dma_start3A_26, %dma_start3A_27] : memref<2x16384xf32, #tpu.memory_space<vmem>> -> memref<1x16384xf32, #tpu.memory_space<vmem>>
    %dma_start3A_29 = tpu.memref_squeeze %dma_start3A_28 : memref<1x16384xf32, #tpu.memory_space<vmem>> -> memref<16384xf32, #tpu.memory_space<vmem>>
    %dma_start3A_30 = tpu.memref_slice %arg3[%add3A_25] : memref<16777216xf32, #tpu.memory_space<hbm>> -> memref<16384xf32, #tpu.memory_space<hbm>>
    %dma_start3A_31 = arith.constant 0 : i32
    %dma_start3A_32 = tpu.memref_slice %arg7[%dma_start3A_26, %dma_start3A_31] : memref<2x16384xf32, #tpu.memory_space<vmem>> -> memref<1x16384xf32, #tpu.memory_space<vmem>>
    %dma_start3A_33 = tpu.memref_squeeze %dma_start3A_32 : memref<1x16384xf32, #tpu.memory_space<vmem>> -> memref<16384xf32, #tpu.memory_space<vmem>>
    %dma_start3A_34 = tpu.memref_slice %arg3[%add3A_25] : memref<16777216xf32, #tpu.memory_space<hbm>> -> memref<16384xf32, #tpu.memory_space<hbm>>
    tpu.enqueue_dma source(%dma_start3A_34 : memref<16384xf32, #tpu.memory_space<hbm>>) target(%dma_start3A_33 : memref<16384xf32, #tpu.memory_space<vmem>>) target_semaphore(%arg11 : memref<!tpu.dma_semaphore, #tpu.memory_space<semaphore_mem>>)
    %broadcast_in_dim3A = arith.constant 0.000000e+00 : f32
    %broadcast_in_dim3A_35 = vector.broadcast %broadcast_in_dim3A : f32 to vector<16xf32>
    %broadcast_in_dim3A_36 = arith.constant 0.000000e+00 : f32
    %broadcast_in_dim3A_37 = vector.broadcast %broadcast_in_dim3A_36 : f32 to vector<16xf32>
    %add3A_38 = arith.constant 16384 : i32
    %add3A_39 = arith.addi %add3A_4, %add3A_38 : i32
    %dma_start3A_40 = arith.constant 1 : i32
    %dma_start3A_41 = arith.constant 0 : i32
    %dma_start3A_42 = tpu.memref_slice %arg5[%dma_start3A_40, %dma_start3A_41] : memref<2x16384xf32, #tpu.memory_space<vmem>> -> memref<1x16384xf32, #tpu.memory_space<vmem>>
    %dma_start3A_43 = tpu.memref_squeeze %dma_start3A_42 : memref<1x16384xf32, #tpu.memory_space<vmem>> -> memref<16384xf32, #tpu.memory_space<vmem>>
    %dma_start3A_44 = tpu.memref_slice %arg2[%add3A_39] : memref<8388608xf32, #tpu.memory_space<hbm>> -> memref<16384xf32, #tpu.memory_space<hbm>>
    %dma_start3A_45 = arith.constant 0 : i32
    %dma_start3A_46 = tpu.memref_slice %arg5[%dma_start3A_40, %dma_start3A_45] : memref<2x16384xf32, #tpu.memory_space<vmem>> -> memref<1x16384xf32, #tpu.memory_space<vmem>>
    %dma_start3A_47 = tpu.memref_squeeze %dma_start3A_46 : memref<1x16384xf32, #tpu.memory_space<vmem>> -> memref<16384xf32, #tpu.memory_space<vmem>>
    %dma_start3A_48 = tpu.memref_slice %arg2[%add3A_39] : memref<8388608xf32, #tpu.memory_space<hbm>> -> memref<16384xf32, #tpu.memory_space<hbm>>
    tpu.enqueue_dma source(%dma_start3A_48 : memref<16384xf32, #tpu.memory_space<hbm>>) target(%dma_start3A_47 : memref<16384xf32, #tpu.memory_space<vmem>>) target_semaphore(%arg9 : memref<!tpu.dma_semaphore, #tpu.memory_space<semaphore_mem>>)
    %dma_start3A_49 = arith.constant 1 : i32
    %dma_start3A_50 = arith.constant 0 : i32
    %dma_start3A_51 = tpu.memref_slice %arg6[%dma_start3A_49, %dma_start3A_50] : memref<2x16384xf32, #tpu.memory_space<vmem>> -> memref<1x16384xf32, #tpu.memory_space<vmem>>
    %dma_start3A_52 = tpu.memref_squeeze %dma_start3A_51 : memref<1x16384xf32, #tpu.memory_space<vmem>> -> memref<16384xf32, #tpu.memory_space<vmem>>
    %dma_start3A_53 = tpu.memref_slice %arg3[%add3A_39] : memref<16777216xf32, #tpu.memory_space<hbm>> -> memref<16384xf32, #tpu.memory_space<hbm>>
    %dma_start3A_54 = arith.constant 0 : i32
    %dma_start3A_55 = tpu.memref_slice %arg6[%dma_start3A_49, %dma_start3A_54] : memref<2x16384xf32, #tpu.memory_space<vmem>> -> memref<1x16384xf32, #tpu.memory_space<vmem>>
    %dma_start3A_56 = tpu.memref_squeeze %dma_start3A_55 : memref<1x16384xf32, #tpu.memory_space<vmem>> -> memref<16384xf32, #tpu.memory_space<vmem>>
    %dma_start3A_57 = tpu.memref_slice %arg3[%add3A_39] : memref<16777216xf32, #tpu.memory_space<hbm>> -> memref<16384xf32, #tpu.memory_space<hbm>>
    tpu.enqueue_dma source(%dma_start3A_57 : memref<16384xf32, #tpu.memory_space<hbm>>) target(%dma_start3A_56 : memref<16384xf32, #tpu.memory_space<vmem>>) target_semaphore(%arg10 : memref<!tpu.dma_semaphore, #tpu.memory_space<semaphore_mem>>)
    %add3A_58 = arith.constant 8388608 : i32
    %add3A_59 = arith.addi %add3A_58, %add3A_39 : i32
    %dma_start3A_60 = arith.constant 1 : i32
    %dma_start3A_61 = arith.constant 0 : i32
    %dma_start3A_62 = tpu.memref_slice %arg7[%dma_start3A_60, %dma_start3A_61] : memref<2x16384xf32, #tpu.memory_space<vmem>> -> memref<1x16384xf32, #tpu.memory_space<vmem>>
    %dma_start3A_63 = tpu.memref_squeeze %dma_start3A_62 : memref<1x16384xf32, #tpu.memory_space<vmem>> -> memref<16384xf32, #tpu.memory_space<vmem>>
    %dma_start3A_64 = tpu.memref_slice %arg3[%add3A_59] : memref<16777216xf32, #tpu.memory_space<hbm>> -> memref<16384xf32, #tpu.memory_space<hbm>>
    %dma_start3A_65 = arith.constant 0 : i32
    %dma_start3A_66 = tpu.memref_slice %arg7[%dma_start3A_60, %dma_start3A_65] : memref<2x16384xf32, #tpu.memory_space<vmem>> -> memref<1x16384xf32, #tpu.memory_space<vmem>>
    %dma_start3A_67 = tpu.memref_squeeze %dma_start3A_66 : memref<1x16384xf32, #tpu.memory_space<vmem>> -> memref<16384xf32, #tpu.memory_space<vmem>>
    %dma_start3A_68 = tpu.memref_slice %arg3[%add3A_59] : memref<16777216xf32, #tpu.memory_space<hbm>> -> memref<16384xf32, #tpu.memory_space<hbm>>
    tpu.enqueue_dma source(%dma_start3A_68 : memref<16384xf32, #tpu.memory_space<hbm>>) target(%dma_start3A_67 : memref<16384xf32, #tpu.memory_space<vmem>>) target_semaphore(%arg11 : memref<!tpu.dma_semaphore, #tpu.memory_space<semaphore_mem>>)
    %add3A_69 = arith.constant 0 : i32
    %add3A_70 = arith.addi %add3A_4, %add3A_69 : i32
    %dma_wait3A = arith.constant 0 : i32
    %dma_wait3A_71 = arith.constant 0 : i32
    %dma_wait3A_72 = tpu.memref_slice %arg5[%dma_wait3A, %dma_wait3A_71] : memref<2x16384xf32, #tpu.memory_space<vmem>> -> memref<1x16384xf32, #tpu.memory_space<vmem>>
    %dma_wait3A_73 = tpu.memref_squeeze %dma_wait3A_72 : memref<1x16384xf32, #tpu.memory_space<vmem>> -> memref<16384xf32, #tpu.memory_space<vmem>>
    %dma_wait3A_74 = tpu.memref_slice %arg2[%add3A_70] : memref<8388608xf32, #tpu.memory_space<hbm>> -> memref<16384xf32, #tpu.memory_space<hbm>>
    %dma_wait3A_75 = arith.constant 0 : i32
    %dma_wait3A_76 = tpu.memref_slice %arg5[%dma_wait3A, %dma_wait3A_75] : memref<2x16384xf32, #tpu.memory_space<vmem>> -> memref<1x16384xf32, #tpu.memory_space<vmem>>
    %dma_wait3A_77 = tpu.memref_squeeze %dma_wait3A_76 : memref<1x16384xf32, #tpu.memory_space<vmem>> -> memref<16384xf32, #tpu.memory_space<vmem>>
    %dma_wait3A_78 = tpu.memref_slice %arg2[%add3A_70] : memref<8388608xf32, #tpu.memory_space<hbm>> -> memref<16384xf32, #tpu.memory_space<hbm>>
    tpu.wait_dma2 semaphore(%arg9 : memref<!tpu.dma_semaphore, #tpu.memory_space<semaphore_mem>>) src(%dma_wait3A_78 : memref<16384xf32, #tpu.memory_space<hbm>>) dst(%dma_wait3A_77 : memref<16384xf32, #tpu.memory_space<vmem>>)
    %dma_wait3A_79 = arith.constant 0 : i32
    %dma_wait3A_80 = arith.constant 0 : i32
    %dma_wait3A_81 = tpu.memref_slice %arg6[%dma_wait3A_79, %dma_wait3A_80] : memref<2x16384xf32, #tpu.memory_space<vmem>> -> memref<1x16384xf32, #tpu.memory_space<vmem>>
    %dma_wait3A_82 = tpu.memref_squeeze %dma_wait3A_81 : memref<1x16384xf32, #tpu.memory_space<vmem>> -> memref<16384xf32, #tpu.memory_space<vmem>>
    %dma_wait3A_83 = tpu.memref_slice %arg3[%add3A_70] : memref<16777216xf32, #tpu.memory_space<hbm>> -> memref<16384xf32, #tpu.memory_space<hbm>>
    %dma_wait3A_84 = arith.constant 0 : i32
    %dma_wait3A_85 = tpu.memref_slice %arg6[%dma_wait3A_79, %dma_wait3A_84] : memref<2x16384xf32, #tpu.memory_space<vmem>> -> memref<1x16384xf32, #tpu.memory_space<vmem>>
    %dma_wait3A_86 = tpu.memref_squeeze %dma_wait3A_85 : memref<1x16384xf32, #tpu.memory_space<vmem>> -> memref<16384xf32, #tpu.memory_space<vmem>>
    %dma_wait3A_87 = tpu.memref_slice %arg3[%add3A_70] : memref<16777216xf32, #tpu.memory_space<hbm>> -> memref<16384xf32, #tpu.memory_space<hbm>>
    tpu.wait_dma2 semaphore(%arg10 : memref<!tpu.dma_semaphore, #tpu.memory_space<semaphore_mem>>) src(%dma_wait3A_87 : memref<16384xf32, #tpu.memory_space<hbm>>) dst(%dma_wait3A_86 : memref<16384xf32, #tpu.memory_space<vmem>>)
    %add3A_88 = arith.constant 8388608 : i32
    %add3A_89 = arith.addi %add3A_88, %add3A_70 : i32
    %dma_wait3A_90 = arith.constant 0 : i32
    %dma_wait3A_91 = arith.constant 0 : i32
    %dma_wait3A_92 = tpu.memref_slice %arg7[%dma_wait3A_90, %dma_wait3A_91] : memref<2x16384xf32, #tpu.memory_space<vmem>> -> memref<1x16384xf32, #tpu.memory_space<vmem>>
    %dma_wait3A_93 = tpu.memref_squeeze %dma_wait3A_92 : memref<1x16384xf32, #tpu.memory_space<vmem>> -> memref<16384xf32, #tpu.memory_space<vmem>>
    %dma_wait3A_94 = tpu.memref_slice %arg3[%add3A_89] : memref<16777216xf32, #tpu.memory_space<hbm>> -> memref<16384xf32, #tpu.memory_space<hbm>>
    %dma_wait3A_95 = arith.constant 0 : i32
    %dma_wait3A_96 = tpu.memref_slice %arg7[%dma_wait3A_90, %dma_wait3A_95] : memref<2x16384xf32, #tpu.memory_space<vmem>> -> memref<1x16384xf32, #tpu.memory_space<vmem>>
    %dma_wait3A_97 = tpu.memref_squeeze %dma_wait3A_96 : memref<1x16384xf32, #tpu.memory_space<vmem>> -> memref<16384xf32, #tpu.memory_space<vmem>>
    %dma_wait3A_98 = tpu.memref_slice %arg3[%add3A_89] : memref<16777216xf32, #tpu.memory_space<hbm>> -> memref<16384xf32, #tpu.memory_space<hbm>>
    tpu.wait_dma2 semaphore(%arg11 : memref<!tpu.dma_semaphore, #tpu.memory_space<semaphore_mem>>) src(%dma_wait3A_98 : memref<16384xf32, #tpu.memory_space<hbm>>) dst(%dma_wait3A_97 : memref<16384xf32, #tpu.memory_space<vmem>>)
    %scan3A = arith.constant 0 : i32
    %scan3A_99 = arith.constant 128 : i32
    %scan3A_100 = arith.addi %scan3A, %scan3A_99 : i32
    %scan3A_101 = arith.constant 1 : i32
    %scan3A_102:2 = scf.for %scan3A_232 = %scan3A to %scan3A_100 step %scan3A_101 iter_args(%scan3A_233 = %broadcast_in_dim3A_35, %scan3A_234 = %broadcast_in_dim3A_37) -> (vector<16xf32>, vector<16xf32>)  : i32 {
      %mul3A_235 = arith.constant 8 : i32
      %mul3A_236 = arith.muli %scan3A_232, %mul3A_235 : i32
      %add3A_237 = arith.constant 0 : i32
      %add3A_238 = arith.addi %mul3A_236, %add3A_237 : i32
      %mul3A_239 = arith.constant 16 : i32
      %mul3A_240 = arith.muli %add3A_238, %mul3A_239 : i32
      %get3A = arith.constant 0 : i32
      %get3A_241 = arith.index_cast %get3A : i32 to index
      %get3A_242 = arith.index_cast %mul3A_240 : i32 to index
      %get3A_243 = tpu.vector_load %arg5[%get3A_241, %get3A_242] {strides = array<i32>} : memref<2x16384xf32, #tpu.memory_space<vmem>>, vector<1x16xf32>,
      %get3A_244 = vector.shape_cast %get3A_243 : vector<1x16xf32> to vector<16xf32>
      %get3A_245 = arith.constant 0 : i32
      %get3A_246 = arith.index_cast %get3A_245 : i32 to index
      %get3A_247 = arith.index_cast %mul3A_240 : i32 to index
      %get3A_248 = tpu.vector_load %arg6[%get3A_246, %get3A_247] {strides = array<i32>} : memref<2x16384xf32, #tpu.memory_space<vmem>>, vector<1x16xf32>,
      %get3A_249 = vector.shape_cast %get3A_248 : vector<1x16xf32> to vector<16xf32>
      %get3A_250 = arith.constant 0 : i32
      %get3A_251 = arith.index_cast %get3A_250 : i32 to index
      %get3A_252 = arith.index_cast %mul3A_240 : i32 to index
      %get3A_253 = tpu.vector_load %arg7[%get3A_251, %get3A_252] {strides = array<i32>} : memref<2x16384xf32, #tpu.memory_space<vmem>>, vector<1x16xf32>,
      %get3A_254 = vector.shape_cast %get3A_253 : vector<1x16xf32> to vector<16xf32>
      %gt3A = arith.constant 0.000000e+00 : f32
      %gt3A_255 = vector.broadcast %gt3A : f32 to vector<16xf32>
      %gt3A_256 = arith.cmpf ogt, %get3A_254, %gt3A_255 : vector<16xf32>
      %sub3A = arith.subf %get3A_244, %get3A_249 : vector<16xf32>
      %abs3A = math.absf %sub3A : vector<16xf32>
      %jit3A = arith.constant 0.000000e+00 : f32
      %broadcast_in_dim3A_257 = vector.broadcast %jit3A : f32 to vector<16xf32>
      %select_n3A = arith.select %gt3A_256, %abs3A, %broadcast_in_dim3A_257 : vector<16xi1>, vector<16xf32>
      %add3A_258 = arith.addf %scan3A_233, %select_n3A : vector<16xf32>
      %jit3A_259 = arith.constant 1.000000e+00 : f32
      %jit3A_260 = arith.constant 0.000000e+00 : f32
      %broadcast_in_dim3A_261 = vector.broadcast %jit3A_259 : f32 to vector<16xf32>
      %broadcast_in_dim3A_262 = vector.broadcast %jit3A_260 : f32 to vector<16xf32>
      %select_n3A_263 = arith.select %gt3A_256, %broadcast_in_dim3A_261, %broadcast_in_dim3A_262 : vector<16xi1>, vector<16xf32>
      %add3A_264 = arith.addf %scan3A_234, %select_n3A_263 : vector<16xf32>
      %mul3A_265 = arith.constant 8 : i32
      %mul3A_266 = arith.muli %scan3A_232, %mul3A_265 : i32
      %add3A_267 = arith.constant 1 : i32
      %add3A_268 = arith.addi %mul3A_266, %add3A_267 : i32
      %mul3A_269 = arith.constant 16 : i32
      %mul3A_270 = arith.muli %add3A_268, %mul3A_269 : i32
      %get3A_271 = arith.constant 0 : i32
      %get3A_272 = arith.index_cast %get3A_271 : i32 to index
      %get3A_273 = arith.index_cast %mul3A_270 : i32 to index
      %get3A_274 = tpu.vector_load %arg5[%get3A_272, %get3A_273] {strides = array<i32>} : memref<2x16384xf32, #tpu.memory_space<vmem>>, vector<1x16xf32>,
      %get3A_275 = vector.shape_cast %get3A_274 : vector<1x16xf32> to vector<16xf32>
      %get3A_276 = arith.constant 0 : i32
      %get3A_277 = arith.index_cast %get3A_276 : i32 to index
      %get3A_278 = arith.index_cast %mul3A_270 : i32 to index
      %get3A_279 = tpu.vector_load %arg6[%get3A_277, %get3A_278] {strides = array<i32>} : memref<2x16384xf32, #tpu.memory_space<vmem>>, vector<1x16xf32>,
      %get3A_280 = vector.shape_cast %get3A_279 : vector<1x16xf32> to vector<16xf32>
      %get3A_281 = arith.constant 0 : i32
      %get3A_282 = arith.index_cast %get3A_281 : i32 to index
      %get3A_283 = arith.index_cast %mul3A_270 : i32 to index
      %get3A_284 = tpu.vector_load %arg7[%get3A_282, %get3A_283] {strides = array<i32>} : memref<2x16384xf32, #tpu.memory_space<vmem>>, vector<1x16xf32>,
      %get3A_285 = vector.shape_cast %get3A_284 : vector<1x16xf32> to vector<16xf32>
      %gt3A_286 = arith.constant 0.000000e+00 : f32
      %gt3A_287 = vector.broadcast %gt3A_286 : f32 to vector<16xf32>
      %gt3A_288 = arith.cmpf ogt, %get3A_285, %gt3A_287 : vector<16xf32>
      %sub3A_289 = arith.subf %get3A_275, %get3A_280 : vector<16xf32>
      %abs3A_290 = math.absf %sub3A_289 : vector<16xf32>
      %jit3A_291 = arith.constant 0.000000e+00 : f32
      %broadcast_in_dim3A_292 = vector.broadcast %jit3A_291 : f32 to vector<16xf32>
      %select_n3A_293 = arith.select %gt3A_288, %abs3A_290, %broadcast_in_dim3A_292 : vector<16xi1>, vector<16xf32>
      %add3A_294 = arith.addf %add3A_258, %select_n3A_293 : vector<16xf32>
      %jit3A_295 = arith.constant 1.000000e+00 : f32
      %jit3A_296 = arith.constant 0.000000e+00 : f32
      %broadcast_in_dim3A_297 = vector.broadcast %jit3A_295 : f32 to vector<16xf32>
      %broadcast_in_dim3A_298 = vector.broadcast %jit3A_296 : f32 to vector<16xf32>
      %select_n3A_299 = arith.select %gt3A_288, %broadcast_in_dim3A_297, %broadcast_in_dim3A_298 : vector<16xi1>, vector<16xf32>
      %add3A_300 = arith.addf %add3A_264, %select_n3A_299 : vector<16xf32>
      %mul3A_301 = arith.constant 8 : i32
      %mul3A_302 = arith.muli %scan3A_232, %mul3A_301 : i32
      %add3A_303 = arith.constant 2 : i32
      %add3A_304 = arith.addi %mul3A_302, %add3A_303 : i32
      %mul3A_305 = arith.constant 16 : i32
      %mul3A_306 = arith.muli %add3A_304, %mul3A_305 : i32
      %get3A_307 = arith.constant 0 : i32
      %get3A_308 = arith.index_cast %get3A_307 : i32 to index
      %get3A_309 = arith.index_cast %mul3A_306 : i32 to index
      %get3A_310 = tpu.vector_load %arg5[%get3A_308, %get3A_309] {strides = array<i32>} : memref<2x16384xf32, #tpu.memory_space<vmem>>, vector<1x16xf32>,
      %get3A_311 = vector.shape_cast %get3A_310 : vector<1x16xf32> to vector<16xf32>
      %get3A_312 = arith.constant 0 : i32
      %get3A_313 = arith.index_cast %get3A_312 : i32 to index
      %get3A_314 = arith.index_cast %mul3A_306 : i32 to index
      %get3A_315 = tpu.vector_load %arg6[%get3A_313, %get3A_314] {strides = array<i32>} : memref<2x16384xf32, #tpu.memory_space<vmem>>, vector<1x16xf32>,
      %get3A_316 = vector.shape_cast %get3A_315 : vector<1x16xf32> to vector<16xf32>
      %get3A_317 = arith.constant 0 : i32
      %get3A_318 = arith.index_cast %get3A_317 : i32 to index
      %get3A_319 = arith.index_cast %mul3A_306 : i32 to index
      %get3A_320 = tpu.vector_load %arg7[%get3A_318, %get3A_319] {strides = array<i32>} : memref<2x16384xf32, #tpu.memory_space<vmem>>, vector<1x16xf32>,
      %get3A_321 = vector.shape_cast %get3A_320 : vector<1x16xf32> to vector<16xf32>
      %gt3A_322 = arith.constant 0.000000e+00 : f32
      %gt3A_323 = vector.broadcast %gt3A_322 : f32 to vector<16xf32>
      %gt3A_324 = arith.cmpf ogt, %get3A_321, %gt3A_323 : vector<16xf32>
      %sub3A_325 = arith.subf %get3A_311, %get3A_316 : vector<16xf32>
      %abs3A_326 = math.absf %sub3A_325 : vector<16xf32>
      %jit3A_327 = arith.constant 0.000000e+00 : f32
      %broadcast_in_dim3A_328 = vector.broadcast %jit3A_327 : f32 to vector<16xf32>
      %select_n3A_329 = arith.select %gt3A_324, %abs3A_326, %broadcast_in_dim3A_328 : vector<16xi1>, vector<16xf32>
      %add3A_330 = arith.addf %add3A_294, %select_n3A_329 : vector<16xf32>
      %jit3A_331 = arith.constant 1.000000e+00 : f32
      %jit3A_332 = arith.constant 0.000000e+00 : f32
      %broadcast_in_dim3A_333 = vector.broadcast %jit3A_331 : f32 to vector<16xf32>
      %broadcast_in_dim3A_334 = vector.broadcast %jit3A_332 : f32 to vector<16xf32>
      %select_n3A_335 = arith.select %gt3A_324, %broadcast_in_dim3A_333, %broadcast_in_dim3A_334 : vector<16xi1>, vector<16xf32>
      %add3A_336 = arith.addf %add3A_300, %select_n3A_335 : vector<16xf32>
      %mul3A_337 = arith.constant 8 : i32
      %mul3A_338 = arith.muli %scan3A_232, %mul3A_337 : i32
      %add3A_339 = arith.constant 3 : i32
      %add3A_340 = arith.addi %mul3A_338, %add3A_339 : i32
      %mul3A_341 = arith.constant 16 : i32
      %mul3A_342 = arith.muli %add3A_340, %mul3A_341 : i32
      %get3A_343 = arith.constant 0 : i32
      %get3A_344 = arith.index_cast %get3A_343 : i32 to index
      %get3A_345 = arith.index_cast %mul3A_342 : i32 to index
      %get3A_346 = tpu.vector_load %arg5[%get3A_344, %get3A_345] {strides = array<i32>} : memref<2x16384xf32, #tpu.memory_space<vmem>>, vector<1x16xf32>,
      %get3A_347 = vector.shape_cast %get3A_346 : vector<1x16xf32> to vector<16xf32>
      %get3A_348 = arith.constant 0 : i32
      %get3A_349 = arith.index_cast %get3A_348 : i32 to index
      %get3A_350 = arith.index_cast %mul3A_342 : i32 to index
      %get3A_351 = tpu.vector_load %arg6[%get3A_349, %get3A_350] {strides = array<i32>} : memref<2x16384xf32, #tpu.memory_space<vmem>>, vector<1x16xf32>,
      %get3A_352 = vector.shape_cast %get3A_351 : vector<1x16xf32> to vector<16xf32>
      %get3A_353 = arith.constant 0 : i32
      %get3A_354 = arith.index_cast %get3A_353 : i32 to index
      %get3A_355 = arith.index_cast %mul3A_342 : i32 to index
      %get3A_356 = tpu.vector_load %arg7[%get3A_354, %get3A_355] {strides = array<i32>} : memref<2x16384xf32, #tpu.memory_space<vmem>>, vector<1x16xf32>,
      %get3A_357 = vector.shape_cast %get3A_356 : vector<1x16xf32> to vector<16xf32>
      %gt3A_358 = arith.constant 0.000000e+00 : f32
      %gt3A_359 = vector.broadcast %gt3A_358 : f32 to vector<16xf32>
      %gt3A_360 = arith.cmpf ogt, %get3A_357, %gt3A_359 : vector<16xf32>
      %sub3A_361 = arith.subf %get3A_347, %get3A_352 : vector<16xf32>
      %abs3A_362 = math.absf %sub3A_361 : vector<16xf32>
      %jit3A_363 = arith.constant 0.000000e+00 : f32
      %broadcast_in_dim3A_364 = vector.broadcast %jit3A_363 : f32 to vector<16xf32>
      %select_n3A_365 = arith.select %gt3A_360, %abs3A_362, %broadcast_in_dim3A_364 : vector<16xi1>, vector<16xf32>
      %add3A_366 = arith.addf %add3A_330, %select_n3A_365 : vector<16xf32>
      %jit3A_367 = arith.constant 1.000000e+00 : f32
      %jit3A_368 = arith.constant 0.000000e+00 : f32
      %broadcast_in_dim3A_369 = vector.broadcast %jit3A_367 : f32 to vector<16xf32>
      %broadcast_in_dim3A_370 = vector.broadcast %jit3A_368 : f32 to vector<16xf32>
      %select_n3A_371 = arith.select %gt3A_360, %broadcast_in_dim3A_369, %broadcast_in_dim3A_370 : vector<16xi1>, vector<16xf32>
      %add3A_372 = arith.addf %add3A_336, %select_n3A_371 : vector<16xf32>
      %mul3A_373 = arith.constant 8 : i32
      %mul3A_374 = arith.muli %scan3A_232, %mul3A_373 : i32
      %add3A_375 = arith.constant 4 : i32
      %add3A_376 = arith.addi %mul3A_374, %add3A_375 : i32
      %mul3A_377 = arith.constant 16 : i32
      %mul3A_378 = arith.muli %add3A_376, %mul3A_377 : i32
      %get3A_379 = arith.constant 0 : i32
      %get3A_380 = arith.index_cast %get3A_379 : i32 to index
      %get3A_381 = arith.index_cast %mul3A_378 : i32 to index
      %get3A_382 = tpu.vector_load %arg5[%get3A_380, %get3A_381] {strides = array<i32>} : memref<2x16384xf32, #tpu.memory_space<vmem>>, vector<1x16xf32>,
      %get3A_383 = vector.shape_cast %get3A_382 : vector<1x16xf32> to vector<16xf32>
      %get3A_384 = arith.constant 0 : i32
      %get3A_385 = arith.index_cast %get3A_384 : i32 to index
      %get3A_386 = arith.index_cast %mul3A_378 : i32 to index
      %get3A_387 = tpu.vector_load %arg6[%get3A_385, %get3A_386] {strides = array<i32>} : memref<2x16384xf32, #tpu.memory_space<vmem>>, vector<1x16xf32>,
      %get3A_388 = vector.shape_cast %get3A_387 : vector<1x16xf32> to vector<16xf32>
      %get3A_389 = arith.constant 0 : i32
      %get3A_390 = arith.index_cast %get3A_389 : i32 to index
      %get3A_391 = arith.index_cast %mul3A_378 : i32 to index
      %get3A_392 = tpu.vector_load %arg7[%get3A_390, %get3A_391] {strides = array<i32>} : memref<2x16384xf32, #tpu.memory_space<vmem>>, vector<1x16xf32>,
      %get3A_393 = vector.shape_cast %get3A_392 : vector<1x16xf32> to vector<16xf32>
      %gt3A_394 = arith.constant 0.000000e+00 : f32
      %gt3A_395 = vector.broadcast %gt3A_394 : f32 to vector<16xf32>
      %gt3A_396 = arith.cmpf ogt, %get3A_393, %gt3A_395 : vector<16xf32>
      %sub3A_397 = arith.subf %get3A_383, %get3A_388 : vector<16xf32>
      %abs3A_398 = math.absf %sub3A_397 : vector<16xf32>
      %jit3A_399 = arith.constant 0.000000e+00 : f32
      %broadcast_in_dim3A_400 = vector.broadcast %jit3A_399 : f32 to vector<16xf32>
      %select_n3A_401 = arith.select %gt3A_396, %abs3A_398, %broadcast_in_dim3A_400 : vector<16xi1>, vector<16xf32>
      %add3A_402 = arith.addf %add3A_366, %select_n3A_401 : vector<16xf32>
      %jit3A_403 = arith.constant 1.000000e+00 : f32
      %jit3A_404 = arith.constant 0.000000e+00 : f32
      %broadcast_in_dim3A_405 = vector.broadcast %jit3A_403 : f32 to vector<16xf32>
      %broadcast_in_dim3A_406 = vector.broadcast %jit3A_404 : f32 to vector<16xf32>
      %select_n3A_407 = arith.select %gt3A_396, %broadcast_in_dim3A_405, %broadcast_in_dim3A_406 : vector<16xi1>, vector<16xf32>
      %add3A_408 = arith.addf %add3A_372, %select_n3A_407 : vector<16xf32>
      %mul3A_409 = arith.constant 8 : i32
      %mul3A_410 = arith.muli %scan3A_232, %mul3A_409 : i32
      %add3A_411 = arith.constant 5 : i32
      %add3A_412 = arith.addi %mul3A_410, %add3A_411 : i32
      %mul3A_413 = arith.constant 16 : i32
      %mul3A_414 = arith.muli %add3A_412, %mul3A_413 : i32
      %get3A_415 = arith.constant 0 : i32
      %get3A_416 = arith.index_cast %get3A_415 : i32 to index
      %get3A_417 = arith.index_cast %mul3A_414 : i32 to index
      %get3A_418 = tpu.vector_load %arg5[%get3A_416, %get3A_417] {strides = array<i32>} : memref<2x16384xf32, #tpu.memory_space<vmem>>, vector<1x16xf32>,
      %get3A_419 = vector.shape_cast %get3A_418 : vector<1x16xf32> to vector<16xf32>
      %get3A_420 = arith.constant 0 : i32
      %get3A_421 = arith.index_cast %get3A_420 : i32 to index
      %get3A_422 = arith.index_cast %mul3A_414 : i32 to index
      %get3A_423 = tpu.vector_load %arg6[%get3A_421, %get3A_422] {strides = array<i32>} : memref<2x16384xf32, #tpu.memory_space<vmem>>, vector<1x16xf32>,
      %get3A_424 = vector.shape_cast %get3A_423 : vector<1x16xf32> to vector<16xf32>
      %get3A_425 = arith.constant 0 : i32
      %get3A_426 = arith.index_cast %get3A_425 : i32 to index
      %get3A_427 = arith.index_cast %mul3A_414 : i32 to index
      %get3A_428 = tpu.vector_load %arg7[%get3A_426, %get3A_427] {strides = array<i32>} : memref<2x16384xf32, #tpu.memory_space<vmem>>, vector<1x16xf32>,
      %get3A_429 = vector.shape_cast %get3A_428 : vector<1x16xf32> to vector<16xf32>
      %gt3A_430 = arith.constant 0.000000e+00 : f32
      %gt3A_431 = vector.broadcast %gt3A_430 : f32 to vector<16xf32>
      %gt3A_432 = arith.cmpf ogt, %get3A_429, %gt3A_431 : vector<16xf32>
      %sub3A_433 = arith.subf %get3A_419, %get3A_424 : vector<16xf32>
      %abs3A_434 = math.absf %sub3A_433 : vector<16xf32>
      %jit3A_435 = arith.constant 0.000000e+00 : f32
      %broadcast_in_dim3A_436 = vector.broadcast %jit3A_435 : f32 to vector<16xf32>
      %select_n3A_437 = arith.select %gt3A_432, %abs3A_434, %broadcast_in_dim3A_436 : vector<16xi1>, vector<16xf32>
      %add3A_438 = arith.addf %add3A_402, %select_n3A_437 : vector<16xf32>
      %jit3A_439 = arith.constant 1.000000e+00 : f32
      %jit3A_440 = arith.constant 0.000000e+00 : f32
      %broadcast_in_dim3A_441 = vector.broadcast %jit3A_439 : f32 to vector<16xf32>
      %broadcast_in_dim3A_442 = vector.broadcast %jit3A_440 : f32 to vector<16xf32>
      %select_n3A_443 = arith.select %gt3A_432, %broadcast_in_dim3A_441, %broadcast_in_dim3A_442 : vector<16xi1>, vector<16xf32>
      %add3A_444 = arith.addf %add3A_408, %select_n3A_443 : vector<16xf32>
      %mul3A_445 = arith.constant 8 : i32
      %mul3A_446 = arith.muli %scan3A_232, %mul3A_445 : i32
      %add3A_447 = arith.constant 6 : i32
      %add3A_448 = arith.addi %mul3A_446, %add3A_447 : i32
      %mul3A_449 = arith.constant 16 : i32
      %mul3A_450 = arith.muli %add3A_448, %mul3A_449 : i32
      %get3A_451 = arith.constant 0 : i32
      %get3A_452 = arith.index_cast %get3A_451 : i32 to index
      %get3A_453 = arith.index_cast %mul3A_450 : i32 to index
      %get3A_454 = tpu.vector_load %arg5[%get3A_452, %get3A_453] {strides = array<i32>} : memref<2x16384xf32, #tpu.memory_space<vmem>>, vector<1x16xf32>,
      %get3A_455 = vector.shape_cast %get3A_454 : vector<1x16xf32> to vector<16xf32>
      %get3A_456 = arith.constant 0 : i32
      %get3A_457 = arith.index_cast %get3A_456 : i32 to index
      %get3A_458 = arith.index_cast %mul3A_450 : i32 to index
      %get3A_459 = tpu.vector_load %arg6[%get3A_457, %get3A_458] {strides = array<i32>} : memref<2x16384xf32, #tpu.memory_space<vmem>>, vector<1x16xf32>,
      %get3A_460 = vector.shape_cast %get3A_459 : vector<1x16xf32> to vector<16xf32>
      %get3A_461 = arith.constant 0 : i32
      %get3A_462 = arith.index_cast %get3A_461 : i32 to index
      %get3A_463 = arith.index_cast %mul3A_450 : i32 to index
      %get3A_464 = tpu.vector_load %arg7[%get3A_462, %get3A_463] {strides = array<i32>} : memref<2x16384xf32, #tpu.memory_space<vmem>>, vector<1x16xf32>,
      %get3A_465 = vector.shape_cast %get3A_464 : vector<1x16xf32> to vector<16xf32>
      %gt3A_466 = arith.constant 0.000000e+00 : f32
      %gt3A_467 = vector.broadcast %gt3A_466 : f32 to vector<16xf32>
      %gt3A_468 = arith.cmpf ogt, %get3A_465, %gt3A_467 : vector<16xf32>
      %sub3A_469 = arith.subf %get3A_455, %get3A_460 : vector<16xf32>
      %abs3A_470 = math.absf %sub3A_469 : vector<16xf32>
      %jit3A_471 = arith.constant 0.000000e+00 : f32
      %broadcast_in_dim3A_472 = vector.broadcast %jit3A_471 : f32 to vector<16xf32>
      %select_n3A_473 = arith.select %gt3A_468, %abs3A_470, %broadcast_in_dim3A_472 : vector<16xi1>, vector<16xf32>
      %add3A_474 = arith.addf %add3A_438, %select_n3A_473 : vector<16xf32>
      %jit3A_475 = arith.constant 1.000000e+00 : f32
      %jit3A_476 = arith.constant 0.000000e+00 : f32
      %broadcast_in_dim3A_477 = vector.broadcast %jit3A_475 : f32 to vector<16xf32>
      %broadcast_in_dim3A_478 = vector.broadcast %jit3A_476 : f32 to vector<16xf32>
      %select_n3A_479 = arith.select %gt3A_468, %broadcast_in_dim3A_477, %broadcast_in_dim3A_478 : vector<16xi1>, vector<16xf32>
      %add3A_480 = arith.addf %add3A_444, %select_n3A_479 : vector<16xf32>
      %mul3A_481 = arith.constant 8 : i32
      %mul3A_482 = arith.muli %scan3A_232, %mul3A_481 : i32
      %add3A_483 = arith.constant 7 : i32
      %add3A_484 = arith.addi %mul3A_482, %add3A_483 : i32
      %mul3A_485 = arith.constant 16 : i32
      %mul3A_486 = arith.muli %add3A_484, %mul3A_485 : i32
      %get3A_487 = arith.constant 0 : i32
      %get3A_488 = arith.index_cast %get3A_487 : i32 to index
      %get3A_489 = arith.index_cast %mul3A_486 : i32 to index
      %get3A_490 = tpu.vector_load %arg5[%get3A_488, %get3A_489] {strides = array<i32>} : memref<2x16384xf32, #tpu.memory_space<vmem>>, vector<1x16xf32>,
      %get3A_491 = vector.shape_cast %get3A_490 : vector<1x16xf32> to vector<16xf32>
      %get3A_492 = arith.constant 0 : i32
      %get3A_493 = arith.index_cast %get3A_492 : i32 to index
      %get3A_494 = arith.index_cast %mul3A_486 : i32 to index
      %get3A_495 = tpu.vector_load %arg6[%get3A_493, %get3A_494] {strides = array<i32>} : memref<2x16384xf32, #tpu.memory_space<vmem>>, vector<1x16xf32>,
      %get3A_496 = vector.shape_cast %get3A_495 : vector<1x16xf32> to vector<16xf32>
      %get3A_497 = arith.constant 0 : i32
      %get3A_498 = arith.index_cast %get3A_497 : i32 to index
      %get3A_499 = arith.index_cast %mul3A_486 : i32 to index
      %get3A_500 = tpu.vector_load %arg7[%get3A_498, %get3A_499] {strides = array<i32>} : memref<2x16384xf32, #tpu.memory_space<vmem>>, vector<1x16xf32>,
      %get3A_501 = vector.shape_cast %get3A_500 : vector<1x16xf32> to vector<16xf32>
      %gt3A_502 = arith.constant 0.000000e+00 : f32
      %gt3A_503 = vector.broadcast %gt3A_502 : f32 to vector<16xf32>
      %gt3A_504 = arith.cmpf ogt, %get3A_501, %gt3A_503 : vector<16xf32>
      %sub3A_505 = arith.subf %get3A_491, %get3A_496 : vector<16xf32>
      %abs3A_506 = math.absf %sub3A_505 : vector<16xf32>
      %jit3A_507 = arith.constant 0.000000e+00 : f32
      %broadcast_in_dim3A_508 = vector.broadcast %jit3A_507 : f32 to vector<16xf32>
      %select_n3A_509 = arith.select %gt3A_504, %abs3A_506, %broadcast_in_dim3A_508 : vector<16xi1>, vector<16xf32>
      %add3A_510 = arith.addf %add3A_474, %select_n3A_509 : vector<16xf32>
      %jit3A_511 = arith.constant 1.000000e+00 : f32
      %jit3A_512 = arith.constant 0.000000e+00 : f32
      %broadcast_in_dim3A_513 = vector.broadcast %jit3A_511 : f32 to vector<16xf32>
      %broadcast_in_dim3A_514 = vector.broadcast %jit3A_512 : f32 to vector<16xf32>
      %select_n3A_515 = arith.select %gt3A_504, %broadcast_in_dim3A_513, %broadcast_in_dim3A_514 : vector<16xi1>, vector<16xf32>
      %add3A_516 = arith.addf %add3A_480, %select_n3A_515 : vector<16xf32>
      scf.yield %add3A_510, %add3A_516 : vector<16xf32>, vector<16xf32>
    }
    %scan3A_103 = arith.constant 128 : i32
    %add3A_104 = arith.constant 32768 : i32
    %add3A_105 = arith.addi %add3A_4, %add3A_104 : i32
    %dma_start3A_106 = arith.constant 0 : i32
    %dma_start3A_107 = arith.constant 0 : i32
    %dma_start3A_108 = tpu.memref_slice %arg5[%dma_start3A_106, %dma_start3A_107] : memref<2x16384xf32, #tpu.memory_space<vmem>> -> memref<1x16384xf32, #tpu.memory_space<vmem>>
    %dma_start3A_109 = tpu.memref_squeeze %dma_start3A_108 : memref<1x16384xf32, #tpu.memory_space<vmem>> -> memref<16384xf32, #tpu.memory_space<vmem>>
    %dma_start3A_110 = tpu.memref_slice %arg2[%add3A_105] : memref<8388608xf32, #tpu.memory_space<hbm>> -> memref<16384xf32, #tpu.memory_space<hbm>>
    %dma_start3A_111 = arith.constant 0 : i32
    %dma_start3A_112 = tpu.memref_slice %arg5[%dma_start3A_106, %dma_start3A_111] : memref<2x16384xf32, #tpu.memory_space<vmem>> -> memref<1x16384xf32, #tpu.memory_space<vmem>>
    %dma_start3A_113 = tpu.memref_squeeze %dma_start3A_112 : memref<1x16384xf32, #tpu.memory_space<vmem>> -> memref<16384xf32, #tpu.memory_space<vmem>>
    %dma_start3A_114 = tpu.memref_slice %arg2[%add3A_105] : memref<8388608xf32, #tpu.memory_space<hbm>> -> memref<16384xf32, #tpu.memory_space<hbm>>
    tpu.enqueue_dma source(%dma_start3A_114 : memref<16384xf32, #tpu.memory_space<hbm>>) target(%dma_start3A_113 : memref<16384xf32, #tpu.memory_space<vmem>>) target_semaphore(%arg9 : memref<!tpu.dma_semaphore, #tpu.memory_space<semaphore_mem>>)
    %dma_start3A_115 = arith.constant 0 : i32
    %dma_start3A_116 = arith.constant 0 : i32
    %dma_start3A_117 = tpu.memref_slice %arg6[%dma_start3A_115, %dma_start3A_116] : memref<2x16384xf32, #tpu.memory_space<vmem>> -> memref<1x16384xf32, #tpu.memory_space<vmem>>
    %dma_start3A_118 = tpu.memref_squeeze %dma_start3A_117 : memref<1x16384xf32, #tpu.memory_space<vmem>> -> memref<16384xf32, #tpu.memory_space<vmem>>
    %dma_start3A_119 = tpu.memref_slice %arg3[%add3A_105] : memref<16777216xf32, #tpu.memory_space<hbm>> -> memref<16384xf32, #tpu.memory_space<hbm>>
    %dma_start3A_120 = arith.constant 0 : i32
    %dma_start3A_121 = tpu.memref_slice %arg6[%dma_start3A_115, %dma_start3A_120] : memref<2x16384xf32, #tpu.memory_space<vmem>> -> memref<1x16384xf32, #tpu.memory_space<vmem>>
    %dma_start3A_122 = tpu.memref_squeeze %dma_start3A_121 : memref<1x16384xf32, #tpu.memory_space<vmem>> -> memref<16384xf32, #tpu.memory_space<vmem>>
    %dma_start3A_123 = tpu.memref_slice %arg3[%add3A_105] : memref<16777216xf32, #tpu.memory_space<hbm>> -> memref<16384xf32, #tpu.memory_space<hbm>>
    tpu.enqueue_dma source(%dma_start3A_123 : memref<16384xf32, #tpu.memory_space<hbm>>) target(%dma_start3A_122 : memref<16384xf32, #tpu.memory_space<vmem>>) target_semaphore(%arg10 : memref<!tpu.dma_semaphore, #tpu.memory_space<semaphore_mem>>)
    %add3A_124 = arith.constant 8388608 : i32
    %add3A_125 = arith.addi %add3A_124, %add3A_105 : i32
    %dma_start3A_126 = arith.constant 0 : i32
    %dma_start3A_127 = arith.constant 0 : i32
    %dma_start3A_128 = tpu.memref_slice %arg7[%dma_start3A_126, %dma_start3A_127] : memref<2x16384xf32, #tpu.memory_space<vmem>> -> memref<1x16384xf32, #tpu.memory_space<vmem>>
    %dma_start3A_129 = tpu.memref_squeeze %dma_start3A_128 : memref<1x16384xf32, #tpu.memory_space<vmem>> -> memref<16384xf32, #tpu.memory_space<vmem>>
    %dma_start3A_130 = tpu.memref_slice %arg3[%add3A_125] : memref<16777216xf32, #tpu.memory_space<hbm>> -> memref<16384xf32, #tpu.memory_space<hbm>>
    %dma_start3A_131 = arith.constant 0 : i32
    %dma_start3A_132 = tpu.memref_slice %arg7[%dma_start3A_126, %dma_start3A_131] : memref<2x16384xf32, #tpu.memory_space<vmem>> -> memref<1x16384xf32, #tpu.memory_space<vmem>>
    %dma_start3A_133 = tpu.memref_squeeze %dma_start3A_132 : memref<1x16384xf32, #tpu.memory_space<vmem>> -> memref<16384xf32, #tpu.memory_space<vmem>>
    %dma_start3A_134 = tpu.memref_slice %arg3[%add3A_125] : memref<16777216xf32, #tpu.memory_space<hbm>> -> memref<16384xf32, #tpu.memory_space<hbm>>
    tpu.enqueue_dma source(%dma_start3A_134 : memref<16384xf32, #tpu.memory_space<hbm>>) target(%dma_start3A_133 : memref<16384xf32, #tpu.memory_space<vmem>>) target_semaphore(%arg11 : memref<!tpu.dma_semaphore, #tpu.memory_space<semaphore_mem>>)
    %add3A_135 = arith.constant 16384 : i32
    %add3A_136 = arith.addi %add3A_4, %add3A_135 : i32
    %dma_wait3A_137 = arith.constant 1 : i32
    %dma_wait3A_138 = arith.constant 0 : i32
    %dma_wait3A_139 = tpu.memref_slice %arg5[%dma_wait3A_137, %dma_wait3A_138] : memref<2x16384xf32, #tpu.memory_space<vmem>> -> memref<1x16384xf32, #tpu.memory_space<vmem>>
    %dma_wait3A_140 = tpu.memref_squeeze %dma_wait3A_139 : memref<1x16384xf32, #tpu.memory_space<vmem>> -> memref<16384xf32, #tpu.memory_space<vmem>>
    %dma_wait3A_141 = tpu.memref_slice %arg2[%add3A_136] : memref<8388608xf32, #tpu.memory_space<hbm>> -> memref<16384xf32, #tpu.memory_space<hbm>>
    %dma_wait3A_142 = arith.constant 0 : i32
    %dma_wait3A_143 = tpu.memref_slice %arg5[%dma_wait3A_137, %dma_wait3A_142] : memref<2x16384xf32, #tpu.memory_space<vmem>> -> memref<1x16384xf32, #tpu.memory_space<vmem>>
    %dma_wait3A_144 = tpu.memref_squeeze %dma_wait3A_143 : memref<1x16384xf32, #tpu.memory_space<vmem>> -> memref<16384xf32, #tpu.memory_space<vmem>>
    %dma_wait3A_145 = tpu.memref_slice %arg2[%add3A_136] : memref<8388608xf32, #tpu.memory_space<hbm>> -> memref<16384xf32, #tpu.memory_space<hbm>>
    tpu.wait_dma2 semaphore(%arg9 : memref<!tpu.dma_semaphore, #tpu.memory_space<semaphore_mem>>) src(%dma_wait3A_145 : memref<16384xf32, #tpu.memory_space<hbm>>) dst(%dma_wait3A_144 : memref<16384xf32, #tpu.memory_space<vmem>>)
    %dma_wait3A_146 = arith.constant 1 : i32
    %dma_wait3A_147 = arith.constant 0 : i32
    %dma_wait3A_148 = tpu.memref_slice %arg6[%dma_wait3A_146, %dma_wait3A_147] : memref<2x16384xf32, #tpu.memory_space<vmem>> -> memref<1x16384xf32, #tpu.memory_space<vmem>>
    %dma_wait3A_149 = tpu.memref_squeeze %dma_wait3A_148 : memref<1x16384xf32, #tpu.memory_space<vmem>> -> memref<16384xf32, #tpu.memory_space<vmem>>
    %dma_wait3A_150 = tpu.memref_slice %arg3[%add3A_136] : memref<16777216xf32, #tpu.memory_space<hbm>> -> memref<16384xf32, #tpu.memory_space<hbm>>
    %dma_wait3A_151 = arith.constant 0 : i32
    %dma_wait3A_152 = tpu.memref_slice %arg6[%dma_wait3A_146, %dma_wait3A_151] : memref<2x16384xf32, #tpu.memory_space<vmem>> -> memref<1x16384xf32, #tpu.memory_space<vmem>>
    %dma_wait3A_153 = tpu.memref_squeeze %dma_wait3A_152 : memref<1x16384xf32, #tpu.memory_space<vmem>> -> memref<16384xf32, #tpu.memory_space<vmem>>
    %dma_wait3A_154 = tpu.memref_slice %arg3[%add3A_136] : memref<16777216xf32, #tpu.memory_space<hbm>> -> memref<16384xf32, #tpu.memory_space<hbm>>
    tpu.wait_dma2 semaphore(%arg10 : memref<!tpu.dma_semaphore, #tpu.memory_space<semaphore_mem>>) src(%dma_wait3A_154 : memref<16384xf32, #tpu.memory_space<hbm>>) dst(%dma_wait3A_153 : memref<16384xf32, #tpu.memory_space<vmem>>)
    %add3A_155 = arith.constant 8388608 : i32
    %add3A_156 = arith.addi %add3A_155, %add3A_136 : i32
    %dma_wait3A_157 = arith.constant 1 : i32
    %dma_wait3A_158 = arith.constant 0 : i32
    %dma_wait3A_159 = tpu.memref_slice %arg7[%dma_wait3A_157, %dma_wait3A_158] : memref<2x16384xf32, #tpu.memory_space<vmem>> -> memref<1x16384xf32, #tpu.memory_space<vmem>>
    %dma_wait3A_160 = tpu.memref_squeeze %dma_wait3A_159 : memref<1x16384xf32, #tpu.memory_space<vmem>> -> memref<16384xf32, #tpu.memory_space<vmem>>
    %dma_wait3A_161 = tpu.memref_slice %arg3[%add3A_156] : memref<16777216xf32, #tpu.memory_space<hbm>> -> memref<16384xf32, #tpu.memory_space<hbm>>
    %dma_wait3A_162 = arith.constant 0 : i32
    %dma_wait3A_163 = tpu.memref_slice %arg7[%dma_wait3A_157, %dma_wait3A_162] : memref<2x16384xf32, #tpu.memory_space<vmem>> -> memref<1x16384xf32, #tpu.memory_space<vmem>>
    %dma_wait3A_164 = tpu.memref_squeeze %dma_wait3A_163 : memref<1x16384xf32, #tpu.memory_space<vmem>> -> memref<16384xf32, #tpu.memory_space<vmem>>
    %dma_wait3A_165 = tpu.memref_slice %arg3[%add3A_156] : memref<16777216xf32, #tpu.memory_space<hbm>> -> memref<16384xf32, #tpu.memory_space<hbm>>
    tpu.wait_dma2 semaphore(%arg11 : memref<!tpu.dma_semaphore, #tpu.memory_space<semaphore_mem>>) src(%dma_wait3A_165 : memref<16384xf32, #tpu.memory_space<hbm>>) dst(%dma_wait3A_164 : memref<16384xf32, #tpu.memory_space<vmem>>)
    %scan3A_166 = arith.constant 0 : i32
    %scan3A_167 = arith.constant 128 : i32
    %scan3A_168 = arith.addi %scan3A_166, %scan3A_167 : i32
    %scan3A_169 = arith.constant 1 : i32
    %scan3A_170:2 = scf.for %scan3A_232 = %scan3A_166 to %scan3A_168 step %scan3A_169 iter_args(%scan3A_233 = %scan3A_102#0, %scan3A_234 = %scan3A_102#1) -> (vector<16xf32>, vector<16xf32>)  : i32 {
      %mul3A_235 = arith.constant 8 : i32
      %mul3A_236 = arith.muli %scan3A_232, %mul3A_235 : i32
      %add3A_237 = arith.constant 0 : i32
      %add3A_238 = arith.addi %mul3A_236, %add3A_237 : i32
      %mul3A_239 = arith.constant 16 : i32
      %mul3A_240 = arith.muli %add3A_238, %mul3A_239 : i32
      %get3A = arith.constant 1 : i32
      %get3A_241 = arith.index_cast %get3A : i32 to index
      %get3A_242 = arith.index_cast %mul3A_240 : i32 to index
      %get3A_243 = tpu.vector_load %arg5[%get3A_241, %get3A_242] {strides = array<i32>} : memref<2x16384xf32, #tpu.memory_space<vmem>>, vector<1x16xf32>,
      %get3A_244 = vector.shape_cast %get3A_243 : vector<1x16xf32> to vector<16xf32>
      %get3A_245 = arith.constant 1 : i32
      %get3A_246 = arith.index_cast %get3A_245 : i32 to index
      %get3A_247 = arith.index_cast %mul3A_240 : i32 to index
      %get3A_248 = tpu.vector_load %arg6[%get3A_246, %get3A_247] {strides = array<i32>} : memref<2x16384xf32, #tpu.memory_space<vmem>>, vector<1x16xf32>,
      %get3A_249 = vector.shape_cast %get3A_248 : vector<1x16xf32> to vector<16xf32>
      %get3A_250 = arith.constant 1 : i32
      %get3A_251 = arith.index_cast %get3A_250 : i32 to index
      %get3A_252 = arith.index_cast %mul3A_240 : i32 to index
      %get3A_253 = tpu.vector_load %arg7[%get3A_251, %get3A_252] {strides = array<i32>} : memref<2x16384xf32, #tpu.memory_space<vmem>>, vector<1x16xf32>,
      %get3A_254 = vector.shape_cast %get3A_253 : vector<1x16xf32> to vector<16xf32>
      %gt3A = arith.constant 0.000000e+00 : f32
      %gt3A_255 = vector.broadcast %gt3A : f32 to vector<16xf32>
      %gt3A_256 = arith.cmpf ogt, %get3A_254, %gt3A_255 : vector<16xf32>
      %sub3A = arith.subf %get3A_244, %get3A_249 : vector<16xf32>
      %abs3A = math.absf %sub3A : vector<16xf32>
      %jit3A = arith.constant 0.000000e+00 : f32
      %broadcast_in_dim3A_257 = vector.broadcast %jit3A : f32 to vector<16xf32>
      %select_n3A = arith.select %gt3A_256, %abs3A, %broadcast_in_dim3A_257 : vector<16xi1>, vector<16xf32>
      %add3A_258 = arith.addf %scan3A_233, %select_n3A : vector<16xf32>
      %jit3A_259 = arith.constant 1.000000e+00 : f32
      %jit3A_260 = arith.constant 0.000000e+00 : f32
      %broadcast_in_dim3A_261 = vector.broadcast %jit3A_259 : f32 to vector<16xf32>
      %broadcast_in_dim3A_262 = vector.broadcast %jit3A_260 : f32 to vector<16xf32>
      %select_n3A_263 = arith.select %gt3A_256, %broadcast_in_dim3A_261, %broadcast_in_dim3A_262 : vector<16xi1>, vector<16xf32>
      %add3A_264 = arith.addf %scan3A_234, %select_n3A_263 : vector<16xf32>
      %mul3A_265 = arith.constant 8 : i32
      %mul3A_266 = arith.muli %scan3A_232, %mul3A_265 : i32
      %add3A_267 = arith.constant 1 : i32
      %add3A_268 = arith.addi %mul3A_266, %add3A_267 : i32
      %mul3A_269 = arith.constant 16 : i32
      %mul3A_270 = arith.muli %add3A_268, %mul3A_269 : i32
      %get3A_271 = arith.constant 1 : i32
      %get3A_272 = arith.index_cast %get3A_271 : i32 to index
      %get3A_273 = arith.index_cast %mul3A_270 : i32 to index
      %get3A_274 = tpu.vector_load %arg5[%get3A_272, %get3A_273] {strides = array<i32>} : memref<2x16384xf32, #tpu.memory_space<vmem>>, vector<1x16xf32>,
      %get3A_275 = vector.shape_cast %get3A_274 : vector<1x16xf32> to vector<16xf32>
      %get3A_276 = arith.constant 1 : i32
      %get3A_277 = arith.index_cast %get3A_276 : i32 to index
      %get3A_278 = arith.index_cast %mul3A_270 : i32 to index
      %get3A_279 = tpu.vector_load %arg6[%get3A_277, %get3A_278] {strides = array<i32>} : memref<2x16384xf32, #tpu.memory_space<vmem>>, vector<1x16xf32>,
      %get3A_280 = vector.shape_cast %get3A_279 : vector<1x16xf32> to vector<16xf32>
      %get3A_281 = arith.constant 1 : i32
      %get3A_282 = arith.index_cast %get3A_281 : i32 to index
      %get3A_283 = arith.index_cast %mul3A_270 : i32 to index
      %get3A_284 = tpu.vector_load %arg7[%get3A_282, %get3A_283] {strides = array<i32>} : memref<2x16384xf32, #tpu.memory_space<vmem>>, vector<1x16xf32>,
      %get3A_285 = vector.shape_cast %get3A_284 : vector<1x16xf32> to vector<16xf32>
      %gt3A_286 = arith.constant 0.000000e+00 : f32
      %gt3A_287 = vector.broadcast %gt3A_286 : f32 to vector<16xf32>
      %gt3A_288 = arith.cmpf ogt, %get3A_285, %gt3A_287 : vector<16xf32>
      %sub3A_289 = arith.subf %get3A_275, %get3A_280 : vector<16xf32>
      %abs3A_290 = math.absf %sub3A_289 : vector<16xf32>
      %jit3A_291 = arith.constant 0.000000e+00 : f32
      %broadcast_in_dim3A_292 = vector.broadcast %jit3A_291 : f32 to vector<16xf32>
      %select_n3A_293 = arith.select %gt3A_288, %abs3A_290, %broadcast_in_dim3A_292 : vector<16xi1>, vector<16xf32>
      %add3A_294 = arith.addf %add3A_258, %select_n3A_293 : vector<16xf32>
      %jit3A_295 = arith.constant 1.000000e+00 : f32
      %jit3A_296 = arith.constant 0.000000e+00 : f32
      %broadcast_in_dim3A_297 = vector.broadcast %jit3A_295 : f32 to vector<16xf32>
      %broadcast_in_dim3A_298 = vector.broadcast %jit3A_296 : f32 to vector<16xf32>
      %select_n3A_299 = arith.select %gt3A_288, %broadcast_in_dim3A_297, %broadcast_in_dim3A_298 : vector<16xi1>, vector<16xf32>
      %add3A_300 = arith.addf %add3A_264, %select_n3A_299 : vector<16xf32>
      %mul3A_301 = arith.constant 8 : i32
      %mul3A_302 = arith.muli %scan3A_232, %mul3A_301 : i32
      %add3A_303 = arith.constant 2 : i32
      %add3A_304 = arith.addi %mul3A_302, %add3A_303 : i32
      %mul3A_305 = arith.constant 16 : i32
      %mul3A_306 = arith.muli %add3A_304, %mul3A_305 : i32
      %get3A_307 = arith.constant 1 : i32
      %get3A_308 = arith.index_cast %get3A_307 : i32 to index
      %get3A_309 = arith.index_cast %mul3A_306 : i32 to index
      %get3A_310 = tpu.vector_load %arg5[%get3A_308, %get3A_309] {strides = array<i32>} : memref<2x16384xf32, #tpu.memory_space<vmem>>, vector<1x16xf32>,
      %get3A_311 = vector.shape_cast %get3A_310 : vector<1x16xf32> to vector<16xf32>
      %get3A_312 = arith.constant 1 : i32
      %get3A_313 = arith.index_cast %get3A_312 : i32 to index
      %get3A_314 = arith.index_cast %mul3A_306 : i32 to index
      %get3A_315 = tpu.vector_load %arg6[%get3A_313, %get3A_314] {strides = array<i32>} : memref<2x16384xf32, #tpu.memory_space<vmem>>, vector<1x16xf32>,
      %get3A_316 = vector.shape_cast %get3A_315 : vector<1x16xf32> to vector<16xf32>
      %get3A_317 = arith.constant 1 : i32
      %get3A_318 = arith.index_cast %get3A_317 : i32 to index
      %get3A_319 = arith.index_cast %mul3A_306 : i32 to index
      %get3A_320 = tpu.vector_load %arg7[%get3A_318, %get3A_319] {strides = array<i32>} : memref<2x16384xf32, #tpu.memory_space<vmem>>, vector<1x16xf32>,
      %get3A_321 = vector.shape_cast %get3A_320 : vector<1x16xf32> to vector<16xf32>
      %gt3A_322 = arith.constant 0.000000e+00 : f32
      %gt3A_323 = vector.broadcast %gt3A_322 : f32 to vector<16xf32>
      %gt3A_324 = arith.cmpf ogt, %get3A_321, %gt3A_323 : vector<16xf32>
      %sub3A_325 = arith.subf %get3A_311, %get3A_316 : vector<16xf32>
      %abs3A_326 = math.absf %sub3A_325 : vector<16xf32>
      %jit3A_327 = arith.constant 0.000000e+00 : f32
      %broadcast_in_dim3A_328 = vector.broadcast %jit3A_327 : f32 to vector<16xf32>
      %select_n3A_329 = arith.select %gt3A_324, %abs3A_326, %broadcast_in_dim3A_328 : vector<16xi1>, vector<16xf32>
      %add3A_330 = arith.addf %add3A_294, %select_n3A_329 : vector<16xf32>
      %jit3A_331 = arith.constant 1.000000e+00 : f32
      %jit3A_332 = arith.constant 0.000000e+00 : f32
      %broadcast_in_dim3A_333 = vector.broadcast %jit3A_331 : f32 to vector<16xf32>
      %broadcast_in_dim3A_334 = vector.broadcast %jit3A_332 : f32 to vector<16xf32>
      %select_n3A_335 = arith.select %gt3A_324, %broadcast_in_dim3A_333, %broadcast_in_dim3A_334 : vector<16xi1>, vector<16xf32>
      %add3A_336 = arith.addf %add3A_300, %select_n3A_335 : vector<16xf32>
      %mul3A_337 = arith.constant 8 : i32
      %mul3A_338 = arith.muli %scan3A_232, %mul3A_337 : i32
      %add3A_339 = arith.constant 3 : i32
      %add3A_340 = arith.addi %mul3A_338, %add3A_339 : i32
      %mul3A_341 = arith.constant 16 : i32
      %mul3A_342 = arith.muli %add3A_340, %mul3A_341 : i32
      %get3A_343 = arith.constant 1 : i32
      %get3A_344 = arith.index_cast %get3A_343 : i32 to index
      %get3A_345 = arith.index_cast %mul3A_342 : i32 to index
      %get3A_346 = tpu.vector_load %arg5[%get3A_344, %get3A_345] {strides = array<i32>} : memref<2x16384xf32, #tpu.memory_space<vmem>>, vector<1x16xf32>,
      %get3A_347 = vector.shape_cast %get3A_346 : vector<1x16xf32> to vector<16xf32>
      %get3A_348 = arith.constant 1 : i32
      %get3A_349 = arith.index_cast %get3A_348 : i32 to index
      %get3A_350 = arith.index_cast %mul3A_342 : i32 to index
      %get3A_351 = tpu.vector_load %arg6[%get3A_349, %get3A_350] {strides = array<i32>} : memref<2x16384xf32, #tpu.memory_space<vmem>>, vector<1x16xf32>,
      %get3A_352 = vector.shape_cast %get3A_351 : vector<1x16xf32> to vector<16xf32>
      %get3A_353 = arith.constant 1 : i32
      %get3A_354 = arith.index_cast %get3A_353 : i32 to index
      %get3A_355 = arith.index_cast %mul3A_342 : i32 to index
      %get3A_356 = tpu.vector_load %arg7[%get3A_354, %get3A_355] {strides = array<i32>} : memref<2x16384xf32, #tpu.memory_space<vmem>>, vector<1x16xf32>,
      %get3A_357 = vector.shape_cast %get3A_356 : vector<1x16xf32> to vector<16xf32>
      %gt3A_358 = arith.constant 0.000000e+00 : f32
      %gt3A_359 = vector.broadcast %gt3A_358 : f32 to vector<16xf32>
      %gt3A_360 = arith.cmpf ogt, %get3A_357, %gt3A_359 : vector<16xf32>
      %sub3A_361 = arith.subf %get3A_347, %get3A_352 : vector<16xf32>
      %abs3A_362 = math.absf %sub3A_361 : vector<16xf32>
      %jit3A_363 = arith.constant 0.000000e+00 : f32
      %broadcast_in_dim3A_364 = vector.broadcast %jit3A_363 : f32 to vector<16xf32>
      %select_n3A_365 = arith.select %gt3A_360, %abs3A_362, %broadcast_in_dim3A_364 : vector<16xi1>, vector<16xf32>
      %add3A_366 = arith.addf %add3A_330, %select_n3A_365 : vector<16xf32>
      %jit3A_367 = arith.constant 1.000000e+00 : f32
      %jit3A_368 = arith.constant 0.000000e+00 : f32
      %broadcast_in_dim3A_369 = vector.broadcast %jit3A_367 : f32 to vector<16xf32>
      %broadcast_in_dim3A_370 = vector.broadcast %jit3A_368 : f32 to vector<16xf32>
      %select_n3A_371 = arith.select %gt3A_360, %broadcast_in_dim3A_369, %broadcast_in_dim3A_370 : vector<16xi1>, vector<16xf32>
      %add3A_372 = arith.addf %add3A_336, %select_n3A_371 : vector<16xf32>
      %mul3A_373 = arith.constant 8 : i32
      %mul3A_374 = arith.muli %scan3A_232, %mul3A_373 : i32
      %add3A_375 = arith.constant 4 : i32
      %add3A_376 = arith.addi %mul3A_374, %add3A_375 : i32
      %mul3A_377 = arith.constant 16 : i32
      %mul3A_378 = arith.muli %add3A_376, %mul3A_377 : i32
      %get3A_379 = arith.constant 1 : i32
      %get3A_380 = arith.index_cast %get3A_379 : i32 to index
      %get3A_381 = arith.index_cast %mul3A_378 : i32 to index
      %get3A_382 = tpu.vector_load %arg5[%get3A_380, %get3A_381] {strides = array<i32>} : memref<2x16384xf32, #tpu.memory_space<vmem>>, vector<1x16xf32>,
      %get3A_383 = vector.shape_cast %get3A_382 : vector<1x16xf32> to vector<16xf32>
      %get3A_384 = arith.constant 1 : i32
      %get3A_385 = arith.index_cast %get3A_384 : i32 to index
      %get3A_386 = arith.index_cast %mul3A_378 : i32 to index
      %get3A_387 = tpu.vector_load %arg6[%get3A_385, %get3A_386] {strides = array<i32>} : memref<2x16384xf32, #tpu.memory_space<vmem>>, vector<1x16xf32>,
      %get3A_388 = vector.shape_cast %get3A_387 : vector<1x16xf32> to vector<16xf32>
      %get3A_389 = arith.constant 1 : i32
      %get3A_390 = arith.index_cast %get3A_389 : i32 to index
      %get3A_391 = arith.index_cast %mul3A_378 : i32 to index
      %get3A_392 = tpu.vector_load %arg7[%get3A_390, %get3A_391] {strides = array<i32>} : memref<2x16384xf32, #tpu.memory_space<vmem>>, vector<1x16xf32>,
      %get3A_393 = vector.shape_cast %get3A_392 : vector<1x16xf32> to vector<16xf32>
      %gt3A_394 = arith.constant 0.000000e+00 : f32
      %gt3A_395 = vector.broadcast %gt3A_394 : f32 to vector<16xf32>
      %gt3A_396 = arith.cmpf ogt, %get3A_393, %gt3A_395 : vector<16xf32>
      %sub3A_397 = arith.subf %get3A_383, %get3A_388 : vector<16xf32>
      %abs3A_398 = math.absf %sub3A_397 : vector<16xf32>
      %jit3A_399 = arith.constant 0.000000e+00 : f32
      %broadcast_in_dim3A_400 = vector.broadcast %jit3A_399 : f32 to vector<16xf32>
      %select_n3A_401 = arith.select %gt3A_396, %abs3A_398, %broadcast_in_dim3A_400 : vector<16xi1>, vector<16xf32>
      %add3A_402 = arith.addf %add3A_366, %select_n3A_401 : vector<16xf32>
      %jit3A_403 = arith.constant 1.000000e+00 : f32
      %jit3A_404 = arith.constant 0.000000e+00 : f32
      %broadcast_in_dim3A_405 = vector.broadcast %jit3A_403 : f32 to vector<16xf32>
      %broadcast_in_dim3A_406 = vector.broadcast %jit3A_404 : f32 to vector<16xf32>
      %select_n3A_407 = arith.select %gt3A_396, %broadcast_in_dim3A_405, %broadcast_in_dim3A_406 : vector<16xi1>, vector<16xf32>
      %add3A_408 = arith.addf %add3A_372, %select_n3A_407 : vector<16xf32>
      %mul3A_409 = arith.constant 8 : i32
      %mul3A_410 = arith.muli %scan3A_232, %mul3A_409 : i32
      %add3A_411 = arith.constant 5 : i32
      %add3A_412 = arith.addi %mul3A_410, %add3A_411 : i32
      %mul3A_413 = arith.constant 16 : i32
      %mul3A_414 = arith.muli %add3A_412, %mul3A_413 : i32
      %get3A_415 = arith.constant 1 : i32
      %get3A_416 = arith.index_cast %get3A_415 : i32 to index
      %get3A_417 = arith.index_cast %mul3A_414 : i32 to index
      %get3A_418 = tpu.vector_load %arg5[%get3A_416, %get3A_417] {strides = array<i32>} : memref<2x16384xf32, #tpu.memory_space<vmem>>, vector<1x16xf32>,
      %get3A_419 = vector.shape_cast %get3A_418 : vector<1x16xf32> to vector<16xf32>
      %get3A_420 = arith.constant 1 : i32
      %get3A_421 = arith.index_cast %get3A_420 : i32 to index
      %get3A_422 = arith.index_cast %mul3A_414 : i32 to index
      %get3A_423 = tpu.vector_load %arg6[%get3A_421, %get3A_422] {strides = array<i32>} : memref<2x16384xf32, #tpu.memory_space<vmem>>, vector<1x16xf32>,
      %get3A_424 = vector.shape_cast %get3A_423 : vector<1x16xf32> to vector<16xf32>
      %get3A_425 = arith.constant 1 : i32
      %get3A_426 = arith.index_cast %get3A_425 : i32 to index
      %get3A_427 = arith.index_cast %mul3A_414 : i32 to index
      %get3A_428 = tpu.vector_load %arg7[%get3A_426, %get3A_427] {strides = array<i32>} : memref<2x16384xf32, #tpu.memory_space<vmem>>, vector<1x16xf32>,
      %get3A_429 = vector.shape_cast %get3A_428 : vector<1x16xf32> to vector<16xf32>
      %gt3A_430 = arith.constant 0.000000e+00 : f32
      %gt3A_431 = vector.broadcast %gt3A_430 : f32 to vector<16xf32>
      %gt3A_432 = arith.cmpf ogt, %get3A_429, %gt3A_431 : vector<16xf32>
      %sub3A_433 = arith.subf %get3A_419, %get3A_424 : vector<16xf32>
      %abs3A_434 = math.absf %sub3A_433 : vector<16xf32>
      %jit3A_435 = arith.constant 0.000000e+00 : f32
      %broadcast_in_dim3A_436 = vector.broadcast %jit3A_435 : f32 to vector<16xf32>
      %select_n3A_437 = arith.select %gt3A_432, %abs3A_434, %broadcast_in_dim3A_436 : vector<16xi1>, vector<16xf32>
      %add3A_438 = arith.addf %add3A_402, %select_n3A_437 : vector<16xf32>
      %jit3A_439 = arith.constant 1.000000e+00 : f32
      %jit3A_440 = arith.constant 0.000000e+00 : f32
      %broadcast_in_dim3A_441 = vector.broadcast %jit3A_439 : f32 to vector<16xf32>
      %broadcast_in_dim3A_442 = vector.broadcast %jit3A_440 : f32 to vector<16xf32>
      %select_n3A_443 = arith.select %gt3A_432, %broadcast_in_dim3A_441, %broadcast_in_dim3A_442 : vector<16xi1>, vector<16xf32>
      %add3A_444 = arith.addf %add3A_408, %select_n3A_443 : vector<16xf32>
      %mul3A_445 = arith.constant 8 : i32
      %mul3A_446 = arith.muli %scan3A_232, %mul3A_445 : i32
      %add3A_447 = arith.constant 6 : i32
      %add3A_448 = arith.addi %mul3A_446, %add3A_447 : i32
      %mul3A_449 = arith.constant 16 : i32
      %mul3A_450 = arith.muli %add3A_448, %mul3A_449 : i32
      %get3A_451 = arith.constant 1 : i32
      %get3A_452 = arith.index_cast %get3A_451 : i32 to index
      %get3A_453 = arith.index_cast %mul3A_450 : i32 to index
      %get3A_454 = tpu.vector_load %arg5[%get3A_452, %get3A_453] {strides = array<i32>} : memref<2x16384xf32, #tpu.memory_space<vmem>>, vector<1x16xf32>,
      %get3A_455 = vector.shape_cast %get3A_454 : vector<1x16xf32> to vector<16xf32>
      %get3A_456 = arith.constant 1 : i32
      %get3A_457 = arith.index_cast %get3A_456 : i32 to index
      %get3A_458 = arith.index_cast %mul3A_450 : i32 to index
      %get3A_459 = tpu.vector_load %arg6[%get3A_457, %get3A_458] {strides = array<i32>} : memref<2x16384xf32, #tpu.memory_space<vmem>>, vector<1x16xf32>,
      %get3A_460 = vector.shape_cast %get3A_459 : vector<1x16xf32> to vector<16xf32>
      %get3A_461 = arith.constant 1 : i32
      %get3A_462 = arith.index_cast %get3A_461 : i32 to index
      %get3A_463 = arith.index_cast %mul3A_450 : i32 to index
      %get3A_464 = tpu.vector_load %arg7[%get3A_462, %get3A_463] {strides = array<i32>} : memref<2x16384xf32, #tpu.memory_space<vmem>>, vector<1x16xf32>,
      %get3A_465 = vector.shape_cast %get3A_464 : vector<1x16xf32> to vector<16xf32>
      %gt3A_466 = arith.constant 0.000000e+00 : f32
      %gt3A_467 = vector.broadcast %gt3A_466 : f32 to vector<16xf32>
      %gt3A_468 = arith.cmpf ogt, %get3A_465, %gt3A_467 : vector<16xf32>
      %sub3A_469 = arith.subf %get3A_455, %get3A_460 : vector<16xf32>
      %abs3A_470 = math.absf %sub3A_469 : vector<16xf32>
      %jit3A_471 = arith.constant 0.000000e+00 : f32
      %broadcast_in_dim3A_472 = vector.broadcast %jit3A_471 : f32 to vector<16xf32>
      %select_n3A_473 = arith.select %gt3A_468, %abs3A_470, %broadcast_in_dim3A_472 : vector<16xi1>, vector<16xf32>
      %add3A_474 = arith.addf %add3A_438, %select_n3A_473 : vector<16xf32>
      %jit3A_475 = arith.constant 1.000000e+00 : f32
      %jit3A_476 = arith.constant 0.000000e+00 : f32
      %broadcast_in_dim3A_477 = vector.broadcast %jit3A_475 : f32 to vector<16xf32>
      %broadcast_in_dim3A_478 = vector.broadcast %jit3A_476 : f32 to vector<16xf32>
      %select_n3A_479 = arith.select %gt3A_468, %broadcast_in_dim3A_477, %broadcast_in_dim3A_478 : vector<16xi1>, vector<16xf32>
      %add3A_480 = arith.addf %add3A_444, %select_n3A_479 : vector<16xf32>
      %mul3A_481 = arith.constant 8 : i32
      %mul3A_482 = arith.muli %scan3A_232, %mul3A_481 : i32
      %add3A_483 = arith.constant 7 : i32
      %add3A_484 = arith.addi %mul3A_482, %add3A_483 : i32
      %mul3A_485 = arith.constant 16 : i32
      %mul3A_486 = arith.muli %add3A_484, %mul3A_485 : i32
      %get3A_487 = arith.constant 1 : i32
      %get3A_488 = arith.index_cast %get3A_487 : i32 to index
      %get3A_489 = arith.index_cast %mul3A_486 : i32 to index
      %get3A_490 = tpu.vector_load %arg5[%get3A_488, %get3A_489] {strides = array<i32>} : memref<2x16384xf32, #tpu.memory_space<vmem>>, vector<1x16xf32>,
      %get3A_491 = vector.shape_cast %get3A_490 : vector<1x16xf32> to vector<16xf32>
      %get3A_492 = arith.constant 1 : i32
      %get3A_493 = arith.index_cast %get3A_492 : i32 to index
      %get3A_494 = arith.index_cast %mul3A_486 : i32 to index
      %get3A_495 = tpu.vector_load %arg6[%get3A_493, %get3A_494] {strides = array<i32>} : memref<2x16384xf32, #tpu.memory_space<vmem>>, vector<1x16xf32>,
      %get3A_496 = vector.shape_cast %get3A_495 : vector<1x16xf32> to vector<16xf32>
      %get3A_497 = arith.constant 1 : i32
      %get3A_498 = arith.index_cast %get3A_497 : i32 to index
      %get3A_499 = arith.index_cast %mul3A_486 : i32 to index
      %get3A_500 = tpu.vector_load %arg7[%get3A_498, %get3A_499] {strides = array<i32>} : memref<2x16384xf32, #tpu.memory_space<vmem>>, vector<1x16xf32>,
      %get3A_501 = vector.shape_cast %get3A_500 : vector<1x16xf32> to vector<16xf32>
      %gt3A_502 = arith.constant 0.000000e+00 : f32
      %gt3A_503 = vector.broadcast %gt3A_502 : f32 to vector<16xf32>
      %gt3A_504 = arith.cmpf ogt, %get3A_501, %gt3A_503 : vector<16xf32>
      %sub3A_505 = arith.subf %get3A_491, %get3A_496 : vector<16xf32>
      %abs3A_506 = math.absf %sub3A_505 : vector<16xf32>
      %jit3A_507 = arith.constant 0.000000e+00 : f32
      %broadcast_in_dim3A_508 = vector.broadcast %jit3A_507 : f32 to vector<16xf32>
      %select_n3A_509 = arith.select %gt3A_504, %abs3A_506, %broadcast_in_dim3A_508 : vector<16xi1>, vector<16xf32>
      %add3A_510 = arith.addf %add3A_474, %select_n3A_509 : vector<16xf32>
      %jit3A_511 = arith.constant 1.000000e+00 : f32
      %jit3A_512 = arith.constant 0.000000e+00 : f32
      %broadcast_in_dim3A_513 = vector.broadcast %jit3A_511 : f32 to vector<16xf32>
      %broadcast_in_dim3A_514 = vector.broadcast %jit3A_512 : f32 to vector<16xf32>
      %select_n3A_515 = arith.select %gt3A_504, %broadcast_in_dim3A_513, %broadcast_in_dim3A_514 : vector<16xi1>, vector<16xf32>
      %add3A_516 = arith.addf %add3A_480, %select_n3A_515 : vector<16xf32>
      scf.yield %add3A_510, %add3A_516 : vector<16xf32>, vector<16xf32>
    }
    %scan3A_171 = arith.constant 128 : i32
    %add3A_172 = arith.constant 32768 : i32
    %add3A_173 = arith.addi %add3A_4, %add3A_172 : i32
    %dma_wait3A_174 = arith.constant 0 : i32
    %dma_wait3A_175 = arith.constant 0 : i32
    %dma_wait3A_176 = tpu.memref_slice %arg5[%dma_wait3A_174, %dma_wait3A_175] : memref<2x16384xf32, #tpu.memory_space<vmem>> -> memref<1x16384xf32, #tpu.memory_space<vmem>>
    %dma_wait3A_177 = tpu.memref_squeeze %dma_wait3A_176 : memref<1x16384xf32, #tpu.memory_space<vmem>> -> memref<16384xf32, #tpu.memory_space<vmem>>
    %dma_wait3A_178 = tpu.memref_slice %arg2[%add3A_173] : memref<8388608xf32, #tpu.memory_space<hbm>> -> memref<16384xf32, #tpu.memory_space<hbm>>
    %dma_wait3A_179 = arith.constant 0 : i32
    %dma_wait3A_180 = tpu.memref_slice %arg5[%dma_wait3A_174, %dma_wait3A_179] : memref<2x16384xf32, #tpu.memory_space<vmem>> -> memref<1x16384xf32, #tpu.memory_space<vmem>>
    %dma_wait3A_181 = tpu.memref_squeeze %dma_wait3A_180 : memref<1x16384xf32, #tpu.memory_space<vmem>> -> memref<16384xf32, #tpu.memory_space<vmem>>
    %dma_wait3A_182 = tpu.memref_slice %arg2[%add3A_173] : memref<8388608xf32, #tpu.memory_space<hbm>> -> memref<16384xf32, #tpu.memory_space<hbm>>
    tpu.wait_dma2 semaphore(%arg9 : memref<!tpu.dma_semaphore, #tpu.memory_space<semaphore_mem>>) src(%dma_wait3A_182 : memref<16384xf32, #tpu.memory_space<hbm>>) dst(%dma_wait3A_181 : memref<16384xf32, #tpu.memory_space<vmem>>)
    %dma_wait3A_183 = arith.constant 0 : i32
    %dma_wait3A_184 = arith.constant 0 : i32
    %dma_wait3A_185 = tpu.memref_slice %arg6[%dma_wait3A_183, %dma_wait3A_184] : memref<2x16384xf32, #tpu.memory_space<vmem>> -> memref<1x16384xf32, #tpu.memory_space<vmem>>
    %dma_wait3A_186 = tpu.memref_squeeze %dma_wait3A_185 : memref<1x16384xf32, #tpu.memory_space<vmem>> -> memref<16384xf32, #tpu.memory_space<vmem>>
    %dma_wait3A_187 = tpu.memref_slice %arg3[%add3A_173] : memref<16777216xf32, #tpu.memory_space<hbm>> -> memref<16384xf32, #tpu.memory_space<hbm>>
    %dma_wait3A_188 = arith.constant 0 : i32
    %dma_wait3A_189 = tpu.memref_slice %arg6[%dma_wait3A_183, %dma_wait3A_188] : memref<2x16384xf32, #tpu.memory_space<vmem>> -> memref<1x16384xf32, #tpu.memory_space<vmem>>
    %dma_wait3A_190 = tpu.memref_squeeze %dma_wait3A_189 : memref<1x16384xf32, #tpu.memory_space<vmem>> -> memref<16384xf32, #tpu.memory_space<vmem>>
    %dma_wait3A_191 = tpu.memref_slice %arg3[%add3A_173] : memref<16777216xf32, #tpu.memory_space<hbm>> -> memref<16384xf32, #tpu.memory_space<hbm>>
    tpu.wait_dma2 semaphore(%arg10 : memref<!tpu.dma_semaphore, #tpu.memory_space<semaphore_mem>>) src(%dma_wait3A_191 : memref<16384xf32, #tpu.memory_space<hbm>>) dst(%dma_wait3A_190 : memref<16384xf32, #tpu.memory_space<vmem>>)
    %add3A_192 = arith.constant 8388608 : i32
    %add3A_193 = arith.addi %add3A_192, %add3A_173 : i32
    %dma_wait3A_194 = arith.constant 0 : i32
    %dma_wait3A_195 = arith.constant 0 : i32
    %dma_wait3A_196 = tpu.memref_slice %arg7[%dma_wait3A_194, %dma_wait3A_195] : memref<2x16384xf32, #tpu.memory_space<vmem>> -> memref<1x16384xf32, #tpu.memory_space<vmem>>
    %dma_wait3A_197 = tpu.memref_squeeze %dma_wait3A_196 : memref<1x16384xf32, #tpu.memory_space<vmem>> -> memref<16384xf32, #tpu.memory_space<vmem>>
    %dma_wait3A_198 = tpu.memref_slice %arg3[%add3A_193] : memref<16777216xf32, #tpu.memory_space<hbm>> -> memref<16384xf32, #tpu.memory_space<hbm>>
    %dma_wait3A_199 = arith.constant 0 : i32
    %dma_wait3A_200 = tpu.memref_slice %arg7[%dma_wait3A_194, %dma_wait3A_199] : memref<2x16384xf32, #tpu.memory_space<vmem>> -> memref<1x16384xf32, #tpu.memory_space<vmem>>
    %dma_wait3A_201 = tpu.memref_squeeze %dma_wait3A_200 : memref<1x16384xf32, #tpu.memory_space<vmem>> -> memref<16384xf32, #tpu.memory_space<vmem>>
    %dma_wait3A_202 = tpu.memref_slice %arg3[%add3A_193] : memref<16777216xf32, #tpu.memory_space<hbm>> -> memref<16384xf32, #tpu.memory_space<hbm>>
    tpu.wait_dma2 semaphore(%arg11 : memref<!tpu.dma_semaphore, #tpu.memory_space<semaphore_mem>>) src(%dma_wait3A_202 : memref<16384xf32, #tpu.memory_space<hbm>>) dst(%dma_wait3A_201 : memref<16384xf32, #tpu.memory_space<vmem>>)
    %scan3A_203 = arith.constant 0 : i32
    %scan3A_204 = arith.constant 128 : i32
    %scan3A_205 = arith.addi %scan3A_203, %scan3A_204 : i32
    %scan3A_206 = arith.constant 1 : i32
    %scan3A_207:2 = scf.for %scan3A_232 = %scan3A_203 to %scan3A_205 step %scan3A_206 iter_args(%scan3A_233 = %scan3A_170#0, %scan3A_234 = %scan3A_170#1) -> (vector<16xf32>, vector<16xf32>)  : i32 {
      %mul3A_235 = arith.constant 8 : i32
      %mul3A_236 = arith.muli %scan3A_232, %mul3A_235 : i32
      %add3A_237 = arith.constant 0 : i32
      %add3A_238 = arith.addi %mul3A_236, %add3A_237 : i32
      %mul3A_239 = arith.constant 16 : i32
      %mul3A_240 = arith.muli %add3A_238, %mul3A_239 : i32
      %get3A = arith.constant 0 : i32
      %get3A_241 = arith.index_cast %get3A : i32 to index
      %get3A_242 = arith.index_cast %mul3A_240 : i32 to index
      %get3A_243 = tpu.vector_load %arg5[%get3A_241, %get3A_242] {strides = array<i32>} : memref<2x16384xf32, #tpu.memory_space<vmem>>, vector<1x16xf32>,
      %get3A_244 = vector.shape_cast %get3A_243 : vector<1x16xf32> to vector<16xf32>
      %get3A_245 = arith.constant 0 : i32
      %get3A_246 = arith.index_cast %get3A_245 : i32 to index
      %get3A_247 = arith.index_cast %mul3A_240 : i32 to index
      %get3A_248 = tpu.vector_load %arg6[%get3A_246, %get3A_247] {strides = array<i32>} : memref<2x16384xf32, #tpu.memory_space<vmem>>, vector<1x16xf32>,
      %get3A_249 = vector.shape_cast %get3A_248 : vector<1x16xf32> to vector<16xf32>
      %get3A_250 = arith.constant 0 : i32
      %get3A_251 = arith.index_cast %get3A_250 : i32 to index
      %get3A_252 = arith.index_cast %mul3A_240 : i32 to index
      %get3A_253 = tpu.vector_load %arg7[%get3A_251, %get3A_252] {strides = array<i32>} : memref<2x16384xf32, #tpu.memory_space<vmem>>, vector<1x16xf32>,
      %get3A_254 = vector.shape_cast %get3A_253 : vector<1x16xf32> to vector<16xf32>
      %gt3A = arith.constant 0.000000e+00 : f32
      %gt3A_255 = vector.broadcast %gt3A : f32 to vector<16xf32>
      %gt3A_256 = arith.cmpf ogt, %get3A_254, %gt3A_255 : vector<16xf32>
      %sub3A = arith.subf %get3A_244, %get3A_249 : vector<16xf32>
      %abs3A = math.absf %sub3A : vector<16xf32>
      %jit3A = arith.constant 0.000000e+00 : f32
      %broadcast_in_dim3A_257 = vector.broadcast %jit3A : f32 to vector<16xf32>
      %select_n3A = arith.select %gt3A_256, %abs3A, %broadcast_in_dim3A_257 : vector<16xi1>, vector<16xf32>
      %add3A_258 = arith.addf %scan3A_233, %select_n3A : vector<16xf32>
      %jit3A_259 = arith.constant 1.000000e+00 : f32
      %jit3A_260 = arith.constant 0.000000e+00 : f32
      %broadcast_in_dim3A_261 = vector.broadcast %jit3A_259 : f32 to vector<16xf32>
      %broadcast_in_dim3A_262 = vector.broadcast %jit3A_260 : f32 to vector<16xf32>
      %select_n3A_263 = arith.select %gt3A_256, %broadcast_in_dim3A_261, %broadcast_in_dim3A_262 : vector<16xi1>, vector<16xf32>
      %add3A_264 = arith.addf %scan3A_234, %select_n3A_263 : vector<16xf32>
      %mul3A_265 = arith.constant 8 : i32
      %mul3A_266 = arith.muli %scan3A_232, %mul3A_265 : i32
      %add3A_267 = arith.constant 1 : i32
      %add3A_268 = arith.addi %mul3A_266, %add3A_267 : i32
      %mul3A_269 = arith.constant 16 : i32
      %mul3A_270 = arith.muli %add3A_268, %mul3A_269 : i32
      %get3A_271 = arith.constant 0 : i32
      %get3A_272 = arith.index_cast %get3A_271 : i32 to index
      %get3A_273 = arith.index_cast %mul3A_270 : i32 to index
      %get3A_274 = tpu.vector_load %arg5[%get3A_272, %get3A_273] {strides = array<i32>} : memref<2x16384xf32, #tpu.memory_space<vmem>>, vector<1x16xf32>,
      %get3A_275 = vector.shape_cast %get3A_274 : vector<1x16xf32> to vector<16xf32>
      %get3A_276 = arith.constant 0 : i32
      %get3A_277 = arith.index_cast %get3A_276 : i32 to index
      %get3A_278 = arith.index_cast %mul3A_270 : i32 to index
      %get3A_279 = tpu.vector_load %arg6[%get3A_277, %get3A_278] {strides = array<i32>} : memref<2x16384xf32, #tpu.memory_space<vmem>>, vector<1x16xf32>,
      %get3A_280 = vector.shape_cast %get3A_279 : vector<1x16xf32> to vector<16xf32>
      %get3A_281 = arith.constant 0 : i32
      %get3A_282 = arith.index_cast %get3A_281 : i32 to index
      %get3A_283 = arith.index_cast %mul3A_270 : i32 to index
      %get3A_284 = tpu.vector_load %arg7[%get3A_282, %get3A_283] {strides = array<i32>} : memref<2x16384xf32, #tpu.memory_space<vmem>>, vector<1x16xf32>,
      %get3A_285 = vector.shape_cast %get3A_284 : vector<1x16xf32> to vector<16xf32>
      %gt3A_286 = arith.constant 0.000000e+00 : f32
      %gt3A_287 = vector.broadcast %gt3A_286 : f32 to vector<16xf32>
      %gt3A_288 = arith.cmpf ogt, %get3A_285, %gt3A_287 : vector<16xf32>
      %sub3A_289 = arith.subf %get3A_275, %get3A_280 : vector<16xf32>
      %abs3A_290 = math.absf %sub3A_289 : vector<16xf32>
      %jit3A_291 = arith.constant 0.000000e+00 : f32
      %broadcast_in_dim3A_292 = vector.broadcast %jit3A_291 : f32 to vector<16xf32>
      %select_n3A_293 = arith.select %gt3A_288, %abs3A_290, %broadcast_in_dim3A_292 : vector<16xi1>, vector<16xf32>
      %add3A_294 = arith.addf %add3A_258, %select_n3A_293 : vector<16xf32>
      %jit3A_295 = arith.constant 1.000000e+00 : f32
      %jit3A_296 = arith.constant 0.000000e+00 : f32
      %broadcast_in_dim3A_297 = vector.broadcast %jit3A_295 : f32 to vector<16xf32>
      %broadcast_in_dim3A_298 = vector.broadcast %jit3A_296 : f32 to vector<16xf32>
      %select_n3A_299 = arith.select %gt3A_288, %broadcast_in_dim3A_297, %broadcast_in_dim3A_298 : vector<16xi1>, vector<16xf32>
      %add3A_300 = arith.addf %add3A_264, %select_n3A_299 : vector<16xf32>
      %mul3A_301 = arith.constant 8 : i32
      %mul3A_302 = arith.muli %scan3A_232, %mul3A_301 : i32
      %add3A_303 = arith.constant 2 : i32
      %add3A_304 = arith.addi %mul3A_302, %add3A_303 : i32
      %mul3A_305 = arith.constant 16 : i32
      %mul3A_306 = arith.muli %add3A_304, %mul3A_305 : i32
      %get3A_307 = arith.constant 0 : i32
      %get3A_308 = arith.index_cast %get3A_307 : i32 to index
      %get3A_309 = arith.index_cast %mul3A_306 : i32 to index
      %get3A_310 = tpu.vector_load %arg5[%get3A_308, %get3A_309] {strides = array<i32>} : memref<2x16384xf32, #tpu.memory_space<vmem>>, vector<1x16xf32>,
      %get3A_311 = vector.shape_cast %get3A_310 : vector<1x16xf32> to vector<16xf32>
      %get3A_312 = arith.constant 0 : i32
      %get3A_313 = arith.index_cast %get3A_312 : i32 to index
      %get3A_314 = arith.index_cast %mul3A_306 : i32 to index
      %get3A_315 = tpu.vector_load %arg6[%get3A_313, %get3A_314] {strides = array<i32>} : memref<2x16384xf32, #tpu.memory_space<vmem>>, vector<1x16xf32>,
      %get3A_316 = vector.shape_cast %get3A_315 : vector<1x16xf32> to vector<16xf32>
      %get3A_317 = arith.constant 0 : i32
      %get3A_318 = arith.index_cast %get3A_317 : i32 to index
      %get3A_319 = arith.index_cast %mul3A_306 : i32 to index
      %get3A_320 = tpu.vector_load %arg7[%get3A_318, %get3A_319] {strides = array<i32>} : memref<2x16384xf32, #tpu.memory_space<vmem>>, vector<1x16xf32>,
      %get3A_321 = vector.shape_cast %get3A_320 : vector<1x16xf32> to vector<16xf32>
      %gt3A_322 = arith.constant 0.000000e+00 : f32
      %gt3A_323 = vector.broadcast %gt3A_322 : f32 to vector<16xf32>
      %gt3A_324 = arith.cmpf ogt, %get3A_321, %gt3A_323 : vector<16xf32>
      %sub3A_325 = arith.subf %get3A_311, %get3A_316 : vector<16xf32>
      %abs3A_326 = math.absf %sub3A_325 : vector<16xf32>
      %jit3A_327 = arith.constant 0.000000e+00 : f32
      %broadcast_in_dim3A_328 = vector.broadcast %jit3A_327 : f32 to vector<16xf32>
      %select_n3A_329 = arith.select %gt3A_324, %abs3A_326, %broadcast_in_dim3A_328 : vector<16xi1>, vector<16xf32>
      %add3A_330 = arith.addf %add3A_294, %select_n3A_329 : vector<16xf32>
      %jit3A_331 = arith.constant 1.000000e+00 : f32
      %jit3A_332 = arith.constant 0.000000e+00 : f32
      %broadcast_in_dim3A_333 = vector.broadcast %jit3A_331 : f32 to vector<16xf32>
      %broadcast_in_dim3A_334 = vector.broadcast %jit3A_332 : f32 to vector<16xf32>
      %select_n3A_335 = arith.select %gt3A_324, %broadcast_in_dim3A_333, %broadcast_in_dim3A_334 : vector<16xi1>, vector<16xf32>
      %add3A_336 = arith.addf %add3A_300, %select_n3A_335 : vector<16xf32>
      %mul3A_337 = arith.constant 8 : i32
      %mul3A_338 = arith.muli %scan3A_232, %mul3A_337 : i32
      %add3A_339 = arith.constant 3 : i32
      %add3A_340 = arith.addi %mul3A_338, %add3A_339 : i32
      %mul3A_341 = arith.constant 16 : i32
      %mul3A_342 = arith.muli %add3A_340, %mul3A_341 : i32
      %get3A_343 = arith.constant 0 : i32
      %get3A_344 = arith.index_cast %get3A_343 : i32 to index
      %get3A_345 = arith.index_cast %mul3A_342 : i32 to index
      %get3A_346 = tpu.vector_load %arg5[%get3A_344, %get3A_345] {strides = array<i32>} : memref<2x16384xf32, #tpu.memory_space<vmem>>, vector<1x16xf32>,
      %get3A_347 = vector.shape_cast %get3A_346 : vector<1x16xf32> to vector<16xf32>
      %get3A_348 = arith.constant 0 : i32
      %get3A_349 = arith.index_cast %get3A_348 : i32 to index
      %get3A_350 = arith.index_cast %mul3A_342 : i32 to index
      %get3A_351 = tpu.vector_load %arg6[%get3A_349, %get3A_350] {strides = array<i32>} : memref<2x16384xf32, #tpu.memory_space<vmem>>, vector<1x16xf32>,
      %get3A_352 = vector.shape_cast %get3A_351 : vector<1x16xf32> to vector<16xf32>
      %get3A_353 = arith.constant 0 : i32
      %get3A_354 = arith.index_cast %get3A_353 : i32 to index
      %get3A_355 = arith.index_cast %mul3A_342 : i32 to index
      %get3A_356 = tpu.vector_load %arg7[%get3A_354, %get3A_355] {strides = array<i32>} : memref<2x16384xf32, #tpu.memory_space<vmem>>, vector<1x16xf32>,
      %get3A_357 = vector.shape_cast %get3A_356 : vector<1x16xf32> to vector<16xf32>
      %gt3A_358 = arith.constant 0.000000e+00 : f32
      %gt3A_359 = vector.broadcast %gt3A_358 : f32 to vector<16xf32>
      %gt3A_360 = arith.cmpf ogt, %get3A_357, %gt3A_359 : vector<16xf32>
      %sub3A_361 = arith.subf %get3A_347, %get3A_352 : vector<16xf32>
      %abs3A_362 = math.absf %sub3A_361 : vector<16xf32>
      %jit3A_363 = arith.constant 0.000000e+00 : f32
      %broadcast_in_dim3A_364 = vector.broadcast %jit3A_363 : f32 to vector<16xf32>
      %select_n3A_365 = arith.select %gt3A_360, %abs3A_362, %broadcast_in_dim3A_364 : vector<16xi1>, vector<16xf32>
      %add3A_366 = arith.addf %add3A_330, %select_n3A_365 : vector<16xf32>
      %jit3A_367 = arith.constant 1.000000e+00 : f32
      %jit3A_368 = arith.constant 0.000000e+00 : f32
      %broadcast_in_dim3A_369 = vector.broadcast %jit3A_367 : f32 to vector<16xf32>
      %broadcast_in_dim3A_370 = vector.broadcast %jit3A_368 : f32 to vector<16xf32>
      %select_n3A_371 = arith.select %gt3A_360, %broadcast_in_dim3A_369, %broadcast_in_dim3A_370 : vector<16xi1>, vector<16xf32>
      %add3A_372 = arith.addf %add3A_336, %select_n3A_371 : vector<16xf32>
      %mul3A_373 = arith.constant 8 : i32
      %mul3A_374 = arith.muli %scan3A_232, %mul3A_373 : i32
      %add3A_375 = arith.constant 4 : i32
      %add3A_376 = arith.addi %mul3A_374, %add3A_375 : i32
      %mul3A_377 = arith.constant 16 : i32
      %mul3A_378 = arith.muli %add3A_376, %mul3A_377 : i32
      %get3A_379 = arith.constant 0 : i32
      %get3A_380 = arith.index_cast %get3A_379 : i32 to index
      %get3A_381 = arith.index_cast %mul3A_378 : i32 to index
      %get3A_382 = tpu.vector_load %arg5[%get3A_380, %get3A_381] {strides = array<i32>} : memref<2x16384xf32, #tpu.memory_space<vmem>>, vector<1x16xf32>,
      %get3A_383 = vector.shape_cast %get3A_382 : vector<1x16xf32> to vector<16xf32>
      %get3A_384 = arith.constant 0 : i32
      %get3A_385 = arith.index_cast %get3A_384 : i32 to index
      %get3A_386 = arith.index_cast %mul3A_378 : i32 to index
      %get3A_387 = tpu.vector_load %arg6[%get3A_385, %get3A_386] {strides = array<i32>} : memref<2x16384xf32, #tpu.memory_space<vmem>>, vector<1x16xf32>,
      %get3A_388 = vector.shape_cast %get3A_387 : vector<1x16xf32> to vector<16xf32>
      %get3A_389 = arith.constant 0 : i32
      %get3A_390 = arith.index_cast %get3A_389 : i32 to index
      %get3A_391 = arith.index_cast %mul3A_378 : i32 to index
      %get3A_392 = tpu.vector_load %arg7[%get3A_390, %get3A_391] {strides = array<i32>} : memref<2x16384xf32, #tpu.memory_space<vmem>>, vector<1x16xf32>,
      %get3A_393 = vector.shape_cast %get3A_392 : vector<1x16xf32> to vector<16xf32>
      %gt3A_394 = arith.constant 0.000000e+00 : f32
      %gt3A_395 = vector.broadcast %gt3A_394 : f32 to vector<16xf32>
      %gt3A_396 = arith.cmpf ogt, %get3A_393, %gt3A_395 : vector<16xf32>
      %sub3A_397 = arith.subf %get3A_383, %get3A_388 : vector<16xf32>
      %abs3A_398 = math.absf %sub3A_397 : vector<16xf32>
      %jit3A_399 = arith.constant 0.000000e+00 : f32
      %broadcast_in_dim3A_400 = vector.broadcast %jit3A_399 : f32 to vector<16xf32>
      %select_n3A_401 = arith.select %gt3A_396, %abs3A_398, %broadcast_in_dim3A_400 : vector<16xi1>, vector<16xf32>
      %add3A_402 = arith.addf %add3A_366, %select_n3A_401 : vector<16xf32>
      %jit3A_403 = arith.constant 1.000000e+00 : f32
      %jit3A_404 = arith.constant 0.000000e+00 : f32
      %broadcast_in_dim3A_405 = vector.broadcast %jit3A_403 : f32 to vector<16xf32>
      %broadcast_in_dim3A_406 = vector.broadcast %jit3A_404 : f32 to vector<16xf32>
      %select_n3A_407 = arith.select %gt3A_396, %broadcast_in_dim3A_405, %broadcast_in_dim3A_406 : vector<16xi1>, vector<16xf32>
      %add3A_408 = arith.addf %add3A_372, %select_n3A_407 : vector<16xf32>
      %mul3A_409 = arith.constant 8 : i32
      %mul3A_410 = arith.muli %scan3A_232, %mul3A_409 : i32
      %add3A_411 = arith.constant 5 : i32
      %add3A_412 = arith.addi %mul3A_410, %add3A_411 : i32
      %mul3A_413 = arith.constant 16 : i32
      %mul3A_414 = arith.muli %add3A_412, %mul3A_413 : i32
      %get3A_415 = arith.constant 0 : i32
      %get3A_416 = arith.index_cast %get3A_415 : i32 to index
      %get3A_417 = arith.index_cast %mul3A_414 : i32 to index
      %get3A_418 = tpu.vector_load %arg5[%get3A_416, %get3A_417] {strides = array<i32>} : memref<2x16384xf32, #tpu.memory_space<vmem>>, vector<1x16xf32>,
      %get3A_419 = vector.shape_cast %get3A_418 : vector<1x16xf32> to vector<16xf32>
      %get3A_420 = arith.constant 0 : i32
      %get3A_421 = arith.index_cast %get3A_420 : i32 to index
      %get3A_422 = arith.index_cast %mul3A_414 : i32 to index
      %get3A_423 = tpu.vector_load %arg6[%get3A_421, %get3A_422] {strides = array<i32>} : memref<2x16384xf32, #tpu.memory_space<vmem>>, vector<1x16xf32>,
      %get3A_424 = vector.shape_cast %get3A_423 : vector<1x16xf32> to vector<16xf32>
      %get3A_425 = arith.constant 0 : i32
      %get3A_426 = arith.index_cast %get3A_425 : i32 to index
      %get3A_427 = arith.index_cast %mul3A_414 : i32 to index
      %get3A_428 = tpu.vector_load %arg7[%get3A_426, %get3A_427] {strides = array<i32>} : memref<2x16384xf32, #tpu.memory_space<vmem>>, vector<1x16xf32>,
      %get3A_429 = vector.shape_cast %get3A_428 : vector<1x16xf32> to vector<16xf32>
      %gt3A_430 = arith.constant 0.000000e+00 : f32
      %gt3A_431 = vector.broadcast %gt3A_430 : f32 to vector<16xf32>
      %gt3A_432 = arith.cmpf ogt, %get3A_429, %gt3A_431 : vector<16xf32>
      %sub3A_433 = arith.subf %get3A_419, %get3A_424 : vector<16xf32>
      %abs3A_434 = math.absf %sub3A_433 : vector<16xf32>
      %jit3A_435 = arith.constant 0.000000e+00 : f32
      %broadcast_in_dim3A_436 = vector.broadcast %jit3A_435 : f32 to vector<16xf32>
      %select_n3A_437 = arith.select %gt3A_432, %abs3A_434, %broadcast_in_dim3A_436 : vector<16xi1>, vector<16xf32>
      %add3A_438 = arith.addf %add3A_402, %select_n3A_437 : vector<16xf32>
      %jit3A_439 = arith.constant 1.000000e+00 : f32
      %jit3A_440 = arith.constant 0.000000e+00 : f32
      %broadcast_in_dim3A_441 = vector.broadcast %jit3A_439 : f32 to vector<16xf32>
      %broadcast_in_dim3A_442 = vector.broadcast %jit3A_440 : f32 to vector<16xf32>
      %select_n3A_443 = arith.select %gt3A_432, %broadcast_in_dim3A_441, %broadcast_in_dim3A_442 : vector<16xi1>, vector<16xf32>
      %add3A_444 = arith.addf %add3A_408, %select_n3A_443 : vector<16xf32>
      %mul3A_445 = arith.constant 8 : i32
      %mul3A_446 = arith.muli %scan3A_232, %mul3A_445 : i32
      %add3A_447 = arith.constant 6 : i32
      %add3A_448 = arith.addi %mul3A_446, %add3A_447 : i32
      %mul3A_449 = arith.constant 16 : i32
      %mul3A_450 = arith.muli %add3A_448, %mul3A_449 : i32
      %get3A_451 = arith.constant 0 : i32
      %get3A_452 = arith.index_cast %get3A_451 : i32 to index
      %get3A_453 = arith.index_cast %mul3A_450 : i32 to index
      %get3A_454 = tpu.vector_load %arg5[%get3A_452, %get3A_453] {strides = array<i32>} : memref<2x16384xf32, #tpu.memory_space<vmem>>, vector<1x16xf32>,
      %get3A_455 = vector.shape_cast %get3A_454 : vector<1x16xf32> to vector<16xf32>
      %get3A_456 = arith.constant 0 : i32
      %get3A_457 = arith.index_cast %get3A_456 : i32 to index
      %get3A_458 = arith.index_cast %mul3A_450 : i32 to index
      %get3A_459 = tpu.vector_load %arg6[%get3A_457, %get3A_458] {strides = array<i32>} : memref<2x16384xf32, #tpu.memory_space<vmem>>, vector<1x16xf32>,
      %get3A_460 = vector.shape_cast %get3A_459 : vector<1x16xf32> to vector<16xf32>
      %get3A_461 = arith.constant 0 : i32
      %get3A_462 = arith.index_cast %get3A_461 : i32 to index
      %get3A_463 = arith.index_cast %mul3A_450 : i32 to index
      %get3A_464 = tpu.vector_load %arg7[%get3A_462, %get3A_463] {strides = array<i32>} : memref<2x16384xf32, #tpu.memory_space<vmem>>, vector<1x16xf32>,
      %get3A_465 = vector.shape_cast %get3A_464 : vector<1x16xf32> to vector<16xf32>
      %gt3A_466 = arith.constant 0.000000e+00 : f32
      %gt3A_467 = vector.broadcast %gt3A_466 : f32 to vector<16xf32>
      %gt3A_468 = arith.cmpf ogt, %get3A_465, %gt3A_467 : vector<16xf32>
      %sub3A_469 = arith.subf %get3A_455, %get3A_460 : vector<16xf32>
      %abs3A_470 = math.absf %sub3A_469 : vector<16xf32>
      %jit3A_471 = arith.constant 0.000000e+00 : f32
      %broadcast_in_dim3A_472 = vector.broadcast %jit3A_471 : f32 to vector<16xf32>
      %select_n3A_473 = arith.select %gt3A_468, %abs3A_470, %broadcast_in_dim3A_472 : vector<16xi1>, vector<16xf32>
      %add3A_474 = arith.addf %add3A_438, %select_n3A_473 : vector<16xf32>
      %jit3A_475 = arith.constant 1.000000e+00 : f32
      %jit3A_476 = arith.constant 0.000000e+00 : f32
      %broadcast_in_dim3A_477 = vector.broadcast %jit3A_475 : f32 to vector<16xf32>
      %broadcast_in_dim3A_478 = vector.broadcast %jit3A_476 : f32 to vector<16xf32>
      %select_n3A_479 = arith.select %gt3A_468, %broadcast_in_dim3A_477, %broadcast_in_dim3A_478 : vector<16xi1>, vector<16xf32>
      %add3A_480 = arith.addf %add3A_444, %select_n3A_479 : vector<16xf32>
      %mul3A_481 = arith.constant 8 : i32
      %mul3A_482 = arith.muli %scan3A_232, %mul3A_481 : i32
      %add3A_483 = arith.constant 7 : i32
      %add3A_484 = arith.addi %mul3A_482, %add3A_483 : i32
      %mul3A_485 = arith.constant 16 : i32
      %mul3A_486 = arith.muli %add3A_484, %mul3A_485 : i32
      %get3A_487 = arith.constant 0 : i32
      %get3A_488 = arith.index_cast %get3A_487 : i32 to index
      %get3A_489 = arith.index_cast %mul3A_486 : i32 to index
      %get3A_490 = tpu.vector_load %arg5[%get3A_488, %get3A_489] {strides = array<i32>} : memref<2x16384xf32, #tpu.memory_space<vmem>>, vector<1x16xf32>,
      %get3A_491 = vector.shape_cast %get3A_490 : vector<1x16xf32> to vector<16xf32>
      %get3A_492 = arith.constant 0 : i32
      %get3A_493 = arith.index_cast %get3A_492 : i32 to index
      %get3A_494 = arith.index_cast %mul3A_486 : i32 to index
      %get3A_495 = tpu.vector_load %arg6[%get3A_493, %get3A_494] {strides = array<i32>} : memref<2x16384xf32, #tpu.memory_space<vmem>>, vector<1x16xf32>,
      %get3A_496 = vector.shape_cast %get3A_495 : vector<1x16xf32> to vector<16xf32>
      %get3A_497 = arith.constant 0 : i32
      %get3A_498 = arith.index_cast %get3A_497 : i32 to index
      %get3A_499 = arith.index_cast %mul3A_486 : i32 to index
      %get3A_500 = tpu.vector_load %arg7[%get3A_498, %get3A_499] {strides = array<i32>} : memref<2x16384xf32, #tpu.memory_space<vmem>>, vector<1x16xf32>,
      %get3A_501 = vector.shape_cast %get3A_500 : vector<1x16xf32> to vector<16xf32>
      %gt3A_502 = arith.constant 0.000000e+00 : f32
      %gt3A_503 = vector.broadcast %gt3A_502 : f32 to vector<16xf32>
      %gt3A_504 = arith.cmpf ogt, %get3A_501, %gt3A_503 : vector<16xf32>
      %sub3A_505 = arith.subf %get3A_491, %get3A_496 : vector<16xf32>
      %abs3A_506 = math.absf %sub3A_505 : vector<16xf32>
      %jit3A_507 = arith.constant 0.000000e+00 : f32
      %broadcast_in_dim3A_508 = vector.broadcast %jit3A_507 : f32 to vector<16xf32>
      %select_n3A_509 = arith.select %gt3A_504, %abs3A_506, %broadcast_in_dim3A_508 : vector<16xi1>, vector<16xf32>
      %add3A_510 = arith.addf %add3A_474, %select_n3A_509 : vector<16xf32>
      %jit3A_511 = arith.constant 1.000000e+00 : f32
      %jit3A_512 = arith.constant 0.000000e+00 : f32
      %broadcast_in_dim3A_513 = vector.broadcast %jit3A_511 : f32 to vector<16xf32>
      %broadcast_in_dim3A_514 = vector.broadcast %jit3A_512 : f32 to vector<16xf32>
      %select_n3A_515 = arith.select %gt3A_504, %broadcast_in_dim3A_513, %broadcast_in_dim3A_514 : vector<16xi1>, vector<16xf32>
      %add3A_516 = arith.addf %add3A_480, %select_n3A_515 : vector<16xf32>
      scf.yield %add3A_510, %add3A_516 : vector<16xf32>, vector<16xf32>
    }
    %scan3A_208 = arith.constant 128 : i32
    %swap3A = arith.constant 0 : index
    %swap3A_209 = tpu.vector_load %arg8[%swap3A] {strides = array<i32>} : memref<32xf32, #tpu.memory_space<vmem>>, vector<16xf32>,
    %swap3A_210 = vector.shape_cast %swap3A_209 : vector<16xf32> to vector<16xf32>
    %swap3A_211 = vector.shape_cast %scan3A_207#0 : vector<16xf32> to vector<16xf32>
    tpu.vector_store %arg8[%swap3A], %swap3A_211 {strides = array<i32>} : memref<32xf32, #tpu.memory_space<vmem>>, vector<16xf32>,
    %swap3A_212 = arith.constant 16 : index
    %swap3A_213 = tpu.vector_load %arg8[%swap3A_212] {strides = array<i32>} : memref<32xf32, #tpu.memory_space<vmem>>, vector<16xf32>,
    %swap3A_214 = vector.shape_cast %swap3A_213 : vector<16xf32> to vector<16xf32>
    %swap3A_215 = vector.shape_cast %scan3A_207#1 : vector<16xf32> to vector<16xf32>
    tpu.vector_store %arg8[%swap3A_212], %swap3A_215 {strides = array<i32>} : memref<32xf32, #tpu.memory_space<vmem>>, vector<16xf32>,
    %mul3A_216 = arith.constant 32 : i32
    %mul3A_217 = arith.muli %add3A, %mul3A_216 : i32
    %dma_start3A_218 = arith.constant 0 : i32
    %dma_start3A_219 = tpu.memref_slice %arg8[%dma_start3A_218] : memref<32xf32, #tpu.memory_space<vmem>> -> memref<32xf32, #tpu.memory_space<vmem>>
    %dma_start3A_220 = tpu.memref_slice %arg4[%mul3A_217] : memref<1024xf32, #tpu.memory_space<hbm>> -> memref<32xf32, #tpu.memory_space<hbm>>
    %dma_start3A_221 = tpu.memref_slice %arg4[%mul3A_217] : memref<1024xf32, #tpu.memory_space<hbm>> -> memref<32xf32, #tpu.memory_space<hbm>>
    %dma_start3A_222 = arith.constant 0 : i32
    %dma_start3A_223 = tpu.memref_slice %arg8[%dma_start3A_222] : memref<32xf32, #tpu.memory_space<vmem>> -> memref<32xf32, #tpu.memory_space<vmem>>
    tpu.enqueue_dma source(%dma_start3A_223 : memref<32xf32, #tpu.memory_space<vmem>>) target(%dma_start3A_221 : memref<32xf32, #tpu.memory_space<hbm>>) target_semaphore(%arg12 : memref<!tpu.dma_semaphore, #tpu.memory_space<semaphore_mem>>)
    %mul3A_224 = arith.constant 32 : i32
    %mul3A_225 = arith.muli %add3A, %mul3A_224 : i32
    %dma_wait3A_226 = arith.constant 0 : i32
    %dma_wait3A_227 = tpu.memref_slice %arg8[%dma_wait3A_226] : memref<32xf32, #tpu.memory_space<vmem>> -> memref<32xf32, #tpu.memory_space<vmem>>
    %dma_wait3A_228 = tpu.memref_slice %arg4[%mul3A_225] : memref<1024xf32, #tpu.memory_space<hbm>> -> memref<32xf32, #tpu.memory_space<hbm>>
    %dma_wait3A_229 = tpu.memref_slice %arg4[%mul3A_225] : memref<1024xf32, #tpu.memory_space<hbm>> -> memref<32xf32, #tpu.memory_space<hbm>>
    %dma_wait3A_230 = arith.constant 0 : i32
    %dma_wait3A_231 = tpu.memref_slice %arg8[%dma_wait3A_230] : memref<32xf32, #tpu.memory_space<vmem>> -> memref<32xf32, #tpu.memory_space<vmem>>
    tpu.wait_dma2 semaphore(%arg12 : memref<!tpu.dma_semaphore, #tpu.memory_space<semaphore_mem>>) src(%dma_wait3A_231 : memref<32xf32, #tpu.memory_space<vmem>>) dst(%dma_wait3A_229 : memref<32xf32, #tpu.memory_space<hbm>>)
    return
  }
}

module attributes {stable_mosaic.version = 14 : i64} {
  func.func @_tc_body(%arg0: i32, %arg1: memref<32x128x128xf32, #tpu.memory_space<vmem>>, %arg2: memref<32x128x128xf32, #tpu.memory_space<vmem>>, %arg3: memref<32x128x128xf32, #tpu.memory_space<vmem>>, %arg4: memref<2x1xf32, #tpu.memory_space<smem>>, %arg5: memref<8x128xf32, #tpu.memory_space<vmem>>, %arg6: memref<8x128xf32, #tpu.memory_space<vmem>>) attributes {dimension_semantics = [#tpu.dimension_semantics<arbitrary>], iteration_bounds = array<i64: 13>, scalar_prefetch = 0 : i64, scratch_operands = 2 : i64, tpu.core_type = #tpu.core_type<tc>, window_params = [{transform_indices = @transform_0, window_bounds = array<i64: 32, 128, 128>}, {transform_indices = @transform_1, window_bounds = array<i64: 32, 128, 128>}, {transform_indices = @transform_2, window_bounds = array<i64: 32, 128, 128>}, {transform_indices = @transform_3, window_bounds = array<i64: 2, 1>}]} {
    %eq3A = arith.constant 0 : i32
    %eq3A_0 = arith.cmpi eq, %arg0, %eq3A : i32
    %convert_element_type3A = arith.extui %eq3A_0 : i1 to i32
    %cond3A = arith.constant 0 : i32
    %cond3A_1 = arith.cmpi ne, %convert_element_type3A, %cond3A : i32
    scf.if %cond3A_1 {
      %broadcast_in_dim3A_38 = arith.constant 0.000000e+00 : f32
      %broadcast_in_dim3A_39 = vector.broadcast %broadcast_in_dim3A_38 : f32 to vector<8x128xf32>
      %swap3A_40 = arith.constant 0 : index
      %swap3A_41 = arith.constant 0 : index
      %swap3A_42 = vector.load %arg5[%swap3A_40, %swap3A_41] : memref<8x128xf32, #tpu.memory_space<vmem>>, vector<8x128xf32>
      tpu.vector_store %arg5[%swap3A_40, %swap3A_41], %broadcast_in_dim3A_39 {strides = array<i32>} : memref<8x128xf32, #tpu.memory_space<vmem>>, vector<8x128xf32>,
      %broadcast_in_dim3A_43 = arith.constant 0.000000e+00 : f32
      %broadcast_in_dim3A_44 = vector.broadcast %broadcast_in_dim3A_43 : f32 to vector<8x128xf32>
      %swap3A_45 = arith.constant 0 : index
      %swap3A_46 = arith.constant 0 : index
      %swap3A_47 = vector.load %arg6[%swap3A_45, %swap3A_46] : memref<8x128xf32, #tpu.memory_space<vmem>>, vector<8x128xf32>
      tpu.vector_store %arg6[%swap3A_45, %swap3A_46], %broadcast_in_dim3A_44 {strides = array<i32>} : memref<8x128xf32, #tpu.memory_space<vmem>>, vector<8x128xf32>,
    } else {
    }
    %get3A = arith.constant 0 : index
    %get3A_2 = arith.constant 0 : index
    %get3A_3 = arith.constant 0 : index
    %get3A_4 = vector.load %arg1[%get3A, %get3A_2, %get3A_3] : memref<32x128x128xf32, #tpu.memory_space<vmem>>, vector<32x128x128xf32>
    %get3A_5 = arith.constant 0 : index
    %get3A_6 = arith.constant 0 : index
    %get3A_7 = arith.constant 0 : index
    %get3A_8 = vector.load %arg2[%get3A_5, %get3A_6, %get3A_7] : memref<32x128x128xf32, #tpu.memory_space<vmem>>, vector<32x128x128xf32>
    %get3A_9 = arith.constant 0 : index
    %get3A_10 = arith.constant 0 : index
    %get3A_11 = arith.constant 0 : index
    %get3A_12 = vector.load %arg3[%get3A_9, %get3A_10, %get3A_11] : memref<32x128x128xf32, #tpu.memory_space<vmem>>, vector<32x128x128xf32>
    %gt3A = arith.constant 0.000000e+00 : f32
    %gt3A_13 = vector.broadcast %gt3A : f32 to vector<32x128x128xf32>
    %gt3A_14 = arith.cmpf ogt, %get3A_12, %gt3A_13 : vector<32x128x128xf32>
    %sub3A = arith.subf %get3A_4, %get3A_8 : vector<32x128x128xf32>
    %abs3A = math.absf %sub3A : vector<32x128x128xf32>
    %jit3A = arith.constant 0.000000e+00 : f32
    %broadcast_in_dim3A = vector.broadcast %jit3A : f32 to vector<32x128x128xf32>
    %select_n3A = arith.select %gt3A_14, %abs3A, %broadcast_in_dim3A : vector<32x128x128xi1>, vector<32x128x128xf32>
    %convert_element_type3A_15 = arith.extui %gt3A_14 : vector<32x128x128xi1> to vector<32x128x128xi32>
    %convert_element_type3A_16 = arith.sitofp %convert_element_type3A_15 : vector<32x128x128xi32> to vector<32x128x128xf32>
    %get3A_17 = arith.constant 0 : index
    %get3A_18 = arith.constant 0 : index
    %get3A_19 = vector.load %arg5[%get3A_17, %get3A_18] : memref<8x128xf32, #tpu.memory_space<vmem>>, vector<8x128xf32>
    %reshape3A = vector.shape_cast %select_n3A : vector<32x128x128xf32> to vector<512x8x128xf32>
    %reduce_sum3A = arith.constant dense<0.000000e+00> : vector<8x128xf32>
    %reduce_sum3A_20 = vector.multi_reduction <add>, %reshape3A, %reduce_sum3A [0] : vector<512x8x128xf32> to vector<8x128xf32>
    %add3A = arith.addf %get3A_19, %reduce_sum3A_20 : vector<8x128xf32>
    %swap3A = arith.constant 0 : index
    %swap3A_21 = arith.constant 0 : index
    %swap3A_22 = vector.load %arg5[%swap3A, %swap3A_21] : memref<8x128xf32, #tpu.memory_space<vmem>>, vector<8x128xf32>
    tpu.vector_store %arg5[%swap3A, %swap3A_21], %add3A {strides = array<i32>} : memref<8x128xf32, #tpu.memory_space<vmem>>, vector<8x128xf32>,
    %get3A_23 = arith.constant 0 : index
    %get3A_24 = arith.constant 0 : index
    %get3A_25 = vector.load %arg6[%get3A_23, %get3A_24] : memref<8x128xf32, #tpu.memory_space<vmem>>, vector<8x128xf32>
    %reshape3A_26 = vector.shape_cast %convert_element_type3A_16 : vector<32x128x128xf32> to vector<512x8x128xf32>
    %reduce_sum3A_27 = arith.constant dense<0.000000e+00> : vector<8x128xf32>
    %reduce_sum3A_28 = vector.multi_reduction <add>, %reshape3A_26, %reduce_sum3A_27 [0] : vector<512x8x128xf32> to vector<8x128xf32>
    %add3A_29 = arith.addf %get3A_25, %reduce_sum3A_28 : vector<8x128xf32>
    %swap3A_30 = arith.constant 0 : index
    %swap3A_31 = arith.constant 0 : index
    %swap3A_32 = vector.load %arg6[%swap3A_30, %swap3A_31] : memref<8x128xf32, #tpu.memory_space<vmem>>, vector<8x128xf32>
    tpu.vector_store %arg6[%swap3A_30, %swap3A_31], %add3A_29 {strides = array<i32>} : memref<8x128xf32, #tpu.memory_space<vmem>>, vector<8x128xf32>,
    %eq3A_33 = arith.constant 12 : i32
    %eq3A_34 = arith.cmpi eq, %arg0, %eq3A_33 : i32
    %convert_element_type3A_35 = arith.extui %eq3A_34 : i1 to i32
    %cond3A_36 = arith.constant 0 : i32
    %cond3A_37 = arith.cmpi ne, %convert_element_type3A_35, %cond3A_36 : i32
    scf.if %cond3A_37 {
      %get3A_38 = arith.constant 0 : index
      %get3A_39 = arith.constant 0 : index
      %get3A_40 = vector.load %arg5[%get3A_38, %get3A_39] : memref<8x128xf32, #tpu.memory_space<vmem>>, vector<8x128xf32>
      %reduce_sum3A_41 = vector.shape_cast %get3A_40 : vector<8x128xf32> to vector<1x8x128xf32>
      %reduce_sum3A_42 = arith.constant dense<0.000000e+00> : vector<1xf32>
      %reduce_sum3A_43 = vector.multi_reduction <add>, %reduce_sum3A_41, %reduce_sum3A_42 [1, 2] : vector<1x8x128xf32> to vector<1xf32>
      %reduce_sum3A_44 = vector.shape_cast %reduce_sum3A_43 : vector<1xf32> to vector<1x1x1xf32>
      %reduce_sum3A_45 = vector.extract %reduce_sum3A_44[0, 0, 0] : f32 from vector<1x1x1xf32>
      %swap3A_46 = arith.constant 0 : index
      %swap3A_47 = arith.constant 0 : index
      %swap3A_48 = memref.load %arg4[%swap3A_46, %swap3A_47] : memref<2x1xf32, #tpu.memory_space<smem>>
      memref.store %reduce_sum3A_45, %arg4[%swap3A_46, %swap3A_47] : memref<2x1xf32, #tpu.memory_space<smem>>
      %get3A_49 = arith.constant 0 : index
      %get3A_50 = arith.constant 0 : index
      %get3A_51 = vector.load %arg6[%get3A_49, %get3A_50] : memref<8x128xf32, #tpu.memory_space<vmem>>, vector<8x128xf32>
      %reduce_sum3A_52 = vector.shape_cast %get3A_51 : vector<8x128xf32> to vector<1x8x128xf32>
      %reduce_sum3A_53 = arith.constant dense<0.000000e+00> : vector<1xf32>
      %reduce_sum3A_54 = vector.multi_reduction <add>, %reduce_sum3A_52, %reduce_sum3A_53 [1, 2] : vector<1x8x128xf32> to vector<1xf32>
      %reduce_sum3A_55 = vector.shape_cast %reduce_sum3A_54 : vector<1xf32> to vector<1x1x1xf32>
      %reduce_sum3A_56 = vector.extract %reduce_sum3A_55[0, 0, 0] : f32 from vector<1x1x1xf32>
      %swap3A_57 = arith.constant 1 : index
      %swap3A_58 = arith.constant 0 : index
      %swap3A_59 = memref.load %arg4[%swap3A_57, %swap3A_58] : memref<2x1xf32, #tpu.memory_space<smem>>
      memref.store %reduce_sum3A_56, %arg4[%swap3A_57, %swap3A_58] : memref<2x1xf32, #tpu.memory_space<smem>>
    } else {
    }
    return
  }
  func.func @transform_0(%arg0: i32) -> (i32, i32, i32) {
    %c0_i32 = arith.constant 0 : i32
    %c0_i32_0 = arith.constant 0 : i32
    %c0_i32_1 = arith.constant 0 : i32
    return %arg0, %c0_i32, %c0_i32_0 : i32, i32, i32
  }
  func.func @transform_1(%arg0: i32) -> (i32, i32, i32) {
    %c0_i32 = arith.constant 0 : i32
    %c0_i32_0 = arith.constant 0 : i32
    %c0_i32_1 = arith.constant 0 : i32
    return %arg0, %c0_i32, %c0_i32_0 : i32, i32, i32
  }
  func.func @transform_2(%arg0: i32) -> (i32, i32, i32) {
    %add3A = arith.constant 16 : i32
    %add3A_0 = arith.addi %arg0, %add3A : i32
    %c0_i32 = arith.constant 0 : i32
    %c0_i32_1 = arith.constant 0 : i32
    %c0_i32_2 = arith.constant 0 : i32
    return %add3A_0, %c0_i32, %c0_i32_1 : i32, i32, i32
  }
  func.func @transform_3(%arg0: i32) -> (i32, i32) {
    %c0_i32 = arith.constant 0 : i32
    %c0_i32_0 = arith.constant 0 : i32
    %c0_i32_1 = arith.constant 0 : i32
    return %c0_i32, %c0_i32_0 : i32, i32
  }
}

</mosaic_0001>

<sc_bundles>
// kernel: kernel.4.cloned.1.call-start
scs
__scs_entry_jumppad:
0x0: {  	(pc) =	sbr.rel $0x88, $3  }
0x1: {  	(tag) =	ssettag $0x0;
	lr =	simm.s32 $0x1  }
0x2: {  	[smem:$0x3F9F] =	sst lr;
	_ =	strace $0xD0000000  }
0x3: {  	_ = 	snop  }
0x4: {  	_ = 	snop  }
0x5: {  	_ = 	snop  }
0x6: {  	_ = 	snop  }
0x7: {  	_ = 	snop  }
__scs_overlays_trampoline_lowered:
0x8: {  	[smem:$0x3FAE] =	sst s0  }
0x9: {  	[smem:$0x3FAF] =	sst s1  }
0xa: {  	[smem:$0x3FB0] =	sst s2  }
0xb: {  	[smem:$0x3FB1] =	sst s3  }
0xc: {  	[smem:$0x3FB2] =	sst s4  }
0xd: {  	[smem:$0x3FB3] =	sst s5  }
0xe: {  	[smem:$0x3FB4] =	sst s6  }
0xf: {  	[smem:$0x3FB5] =	sst s7  }
0x10: {  	[smem:$0x3FB6] =	sst s8  }
0x11: {  	[smem:$0x3FB7] =	sst s9;
	s0 =	simm.s32 @!p0 $0x0  }
0x12: {  	s1 =	sld [smem:$0x3F9D];
	s0 =	simm.s32 @p0 $0x1  }
0x13: {  	[smem:$0x3FB8] =	sst s0;
	s0 =	simm.s32 @!p1 $0x0  }
0x14: {  	s2 =	sld [smem:$0x3F9C];
	s0 =	simm.s32 @p1 $0x1  }
0x15: {  	[smem:$0x3FB9] =	sst s0;
	s0 =	simm.s32 @!p2 $0x0  }
0x16: {  	s3 =	sld [smem:$0x3FDB];
	s0 =	simm.s32 @p2 $0x1  }
0x17: {  	s4 =	simm.s32 $0x1BF5;
	[smem:$0x3FBB] =	sst s0  }
0x18: {  	s0 =	sld [smem:$0x3F9E];
	_ =	swait.ge [sflag:s4], $0x0  }
0x19: {  	s7 =	sld [smem:$0x3F9F]  }
0x1a: {  	s8 =	sadd.s32 $0xFFFFE003, lr  }
0x1b: {  	s9 =	sadd.s32 $0xFFFFFEF7, lr;
	s5 =	simm.s32 $0xFFFFFFFF;
	p2 =	slt.u32 s8, $0xFFFFF086  }
0x1c: {  	p1 =	slt.u32 s9, $0xF7A;
	s5 =	simm.s32 @!p2 $0x0  }
0x1d: {  	s5 =	simm.s32 @p1 $0x1;
	p0 =	seq.s32 s7, s2  }
0x1e: {  	s7 =	smul.u32 @!p0 $0xF7A, s2;
	p2 =	seq.s32 @!p0 s5, $0x0  }
0x1f: {  	s9 =	smul.u32 $0xF7A, s1;
	s8 =	simm.s32 @!p0 $0x1BF5;
	p2 =	por !p2, p0  }
0x20: {  	[sflag:s8] =	ssyncset.s32 @!p0 $0xFFFFF086;
	s6 =	sadd.s32 @!p0 s3, s7;
	s7 =	simm.s32 @!p0 $0x108  }
0x21: {  	s3 =	sadd.s32 s3, s9;
	s6 =	sadd.s32 @!p0 $0x88, s6;
	s7 =	simm.s32 @p2 $0x1082  }
0x22: {  	[simem:s7], [sflag:s8] =	dma.local @!p0 [hbm:s6], $0xF7A  }
0x23: {  	s9 =	sor.u32 $0xD0000000, s2;
	s6 =	simm.s32 $0x108;
	_ =	swait.ge @!p0 [sflag:s8], $0x0  }
0x24: {  	s3 =	sadd.s32 $0x88, s3;
	s6 =	simm.s32 @!p1 $0x1082;
	[sflag:s4] =	ssyncset.s32 $0xFFFFF086  }
0x25: {  	[simem:s6], [sflag:s4] =	dma.local [hbm:s3], $0xF7A  }
0x26: {  	[smem:$0x3F9F] =	sst s1;
	(tag) =	ssettag s2;
	_ =	strace s9  }
0x27: {  	s1 =	sld [smem:$0x3FAF]  }
0x28: {  	s2 =	sld [smem:$0x3FB0]  }
0x29: {  	s4 =	sld [smem:$0x3FB2]  }
0x2a: {  	p0 =	seq.s32 s5, $0x0;
	s5 =	sld [smem:$0x3FB3]  }
0x2b: {  	s6 =	sld [smem:$0x3FB4]  }
0x2c: {  	s7 =	sld [smem:$0x3FB5]  }
0x2d: {  	s3 =	simm.s32 $0x108;
	s8 =	sld [smem:$0x3FB6]  }
0x2e: {  	s3 =	simm.s32 @!p0 $0x1082;
	s9 =	sld [smem:$0x3FB7]  }
0x2f: {  	lr =	sadd.s32 s0, s3;
	s0 =	sld [smem:$0x3FAE]  }
0x30: {  	s3 =	sld [smem:$0x3FB1]  }
0x31: {  	[smem:$0x3FBA] =	sst s10  }
0x32: {  	s10 =	sld [smem:$0x3FB8];
	_ =	sdelay $0x3  }
0x33: {  	p0 =	seq.s32 s10, $0x1;
	s10 =	sld [smem:$0x3FBA];
	_ =	sdelay $0x3  }
0x34: {  	[smem:$0x3FBA] =	sst s10  }
0x35: {  	s10 =	sld [smem:$0x3FB9];
	_ =	sdelay $0x3  }
0x36: {  	p1 =	seq.s32 s10, $0x1;
	s10 =	sld [smem:$0x3FBA];
	_ =	sdelay $0x3  }
0x37: {  	[smem:$0x3FBA] =	sst s10  }
0x38: {  	s10 =	sld [smem:$0x3FBB]  }
0x39: {  	_ = 	snop;
	(pc) =	sbr.ind lr, $3  }
0x3a: {  	_ = 	snop  }
0x3b: {  	_ = 	snop  }
0x3c: {  	p2 =	seq.s32 s10, $0x1;
	s10 =	sld [smem:$0x3FBA]  }
0x3d: {  	_ =	shalt  }
0x3e: {  	_ =	shalt  }
0x3f: {  	_ =	shalt  }
0x40: {  	_ =	shalt  }
0x41: {  	_ =	shalt  }
0x42: {  	_ =	shalt  }
0x43: {  	_ =	shalt  }
0x44: {  	_ =	shalt  }
0x45: {  	_ =	shalt  }
0x46: {  	_ =	shalt  }
0x47: {  	_ =	shalt  }
0x48: {  	_ =	shalt  }
0x49: {  	_ =	shalt  }
0x4a: {  	_ =	shalt  }
0x4b: {  	_ =	shalt  }
0x4c: {  	_ =	shalt  }
0x4d: {  	_ =	shalt  }
0x4e: {  	_ =	shalt  }
0x4f: {  	_ =	shalt  }
0x50: {  	_ =	shalt  }
0x51: {  	_ =	shalt  }
0x52: {  	_ =	shalt  }
0x53: {  	_ =	shalt  }
0x54: {  	_ =	shalt  }
0x55: {  	_ =	shalt  }
0x56: {  	_ =	shalt  }
0x57: {  	_ =	shalt  }
0x58: {  	_ =	shalt  }
0x59: {  	_ =	shalt  }
0x5a: {  	_ =	shalt  }
0x5b: {  	_ =	shalt  }
0x5c: {  	_ =	shalt  }
0x5d: {  	_ =	shalt  }
0x5e: {  	_ =	shalt  }
0x5f: {  	_ =	shalt  }
0x60: {  	_ =	shalt  }
0x61: {  	_ =	shalt  }
0x62: {  	_ =	shalt  }
0x63: {  	_ =	shalt  }
0x64: {  	_ =	shalt  }
0x65: {  	_ =	shalt  }
0x66: {  	_ =	shalt  }
0x67: {  	_ =	shalt  }
0x68: {  	_ =	shalt  }
0x69: {  	_ =	shalt  }
0x6a: {  	_ =	shalt  }
0x6b: {  	_ =	shalt  }
0x6c: {  	_ =	shalt  }
0x6d: {  	_ =	shalt  }
0x6e: {  	_ =	shalt  }
0x6f: {  	_ =	shalt  }
0x70: {  	_ =	shalt  }
0x71: {  	_ =	shalt  }
0x72: {  	_ =	shalt  }
0x73: {  	_ =	shalt  }
0x74: {  	_ =	shalt  }
0x75: {  	_ =	shalt  }
0x76: {  	_ =	shalt  }
0x77: {  	_ =	shalt  }
0x78: {  	_ =	shalt  }
0x79: {  	_ =	shalt  }
0x7a: {  	_ =	shalt  }
0x7b: {  	_ =	shalt  }
0x7c: {  	_ =	shalt  }
0x7d: {  	_ =	shalt  }
0x7e: {  	_ =	shalt  }
0x7f: {  	_ =	shalt  }
0x80: {  	_ =	shalt  }
0x81: {  	_ =	shalt  }
0x82: {  	_ =	shalt  }
0x83: {  	_ =	shalt  }
0x84: {  	_ =	shalt  }
0x85: {  	_ =	shalt  }
0x86: {  	_ =	shalt  }
0x87: {  	_ =	shalt  }
.Lfunc_end0:
.L_simem_size_0:
called_computation_lowered:
.L_overlay_start_0:
0x88: {  	s2 =	sld [smem:$0x3FD9]  }
0x89: {  	s3 =	sld [smem:$0x3FFE];
	_ =	sdelay $0x1  }
0x8a: {  	s1 =	srdreg.scid  }
0x8b: {  	s0 =	sand.u32 $0x1, s1  }
0x8c: {  	s17 =	sshll.u32 s0, $0xA;
	s2 =	sadd.s32 s3, s2  }
0x8d: {  	s2 =	sadd.s32 s2, s17  }
0x8e: {  	[smem:$0x3FC6] =	sst s2  }
0x8f: {  	_ = 	snop  }
0x90: {  	s2 =	sld [smem:$0x3FC9]  }
0x91: {  	s18 =	sld [smem:$0x3FC8];
	(tm) =	ssettm $0x1  }
0x92: {  	s4 =	sld [smem:$0x3FFB];
	_ =	sdelay $0x3  }
0x93: {  	_ =	strace s4  }
0x94: {  	s4 =	sld [smem:$0x3FFC];
	_ =	sdelay $0x3  }
0x95: {  	_ =	strace s4  }
0x96: {  	s4 =	sld [smem:$0x3FFD];
	_ =	sdelay $0x3  }
0x97: {  	_ =	strace s4  }
0x98: {  	_ =	strace $0x8FFFFFFF  }
0x99: {  	s19 =	sld [smem:$0x3FDB];
	_ =	sdelay $0x1  }
0x9a: {  	s5 =	simm.s32 $_scs_section_size  }
0x9b: {  	s6 =	simm.s32 $_size__tile_overlayer_lowered;
	s7 =	simm.s32 $_tile_overlayer_lowered  }
0x9c: {  	s22 =	simm.s32 $0x1BFF;
	s21 =	sshll.u32 s7, $0x1;
	s4 =	sadd.s32 s5, s19  }
0x9d: {  	s8 =	simm.s32 $0x0;
	s20 =	sshll.u32 s6, $0x1;
	s6 =	sadd.s32 s21, s4  }
0x9e: {  	[timem:s8], [sflag:s22] =	dma.local [hbm:s6], s20  }
0x9f: {  	_ =	swait.ge [sflag:s22], s20  }
0xa0: {  	s5 =	ssub.s32 $0x0, s20;
	[sflag:s22] =	ssyncset.done $0x0  }
0xa1: {  	[sflag:s22] =	ssyncadd.s32 s5;
	_ =	sdelay $0x1  }
0xa2: {  	s23 =	simm.s32 $0x1B8B  }
0xa3: {  	_ =	swait.ge [sflag:s23], $0x1  }
0xa4: {  	[sflag:s23] =	ssyncset.done $0x0  }
0xa5: {  	s25 =	simm.s32 $0x1B8E;
	s24 =	sld [smem:$0x3FFE];
	[sflag:s23] =	ssyncadd.s32 $0xFFFFFFFF  }
0xa6: {  	s26 =	simm.s32 $execute0_lowered;
	[smem:$0x3FD2] =	sst s25  }
0xa7: {  	s6 =	sshll.u32 s26, $0x1;
	_ =	strace $0x80000046;
	[dreg:$0x1] =	wrdreg $0xFFFFFFFF  }
0xa8: {  	s28 =	simm.s32 $_size_execute0_lowered;
	s4 =	sadd.s32 s4, s6;
	[dreg:$0x0] =	wrdreg $0x0  }
0xa9: {  	s6 =	sshll.u32 s28, $0x1;
	[dreg:$0x2] =	wrdreg s4  }
0xaa: {  	[dreg:$0x3] =	wrdreg s6  }
0xab: {  	[dreg:$0x4] =	wrdreg $0xC0  }
0xac: {  	_ =	task [dreg:s8], $0x5FFFF  }
0xad: {  	[dreg:$0x1] =	wrdreg $0xFFFFFFFF  }
0xae: {  	[dreg:$0x0] =	wrdreg $0x60  }
0xaf: {  	[dreg:$0x2] =	wrdreg s2  }
0xb0: {  	[dreg:$0x3] =	wrdreg s18  }
0xb1: {  	[dreg:$0x4] =	wrdreg s24  }
0xb2: {  	[dreg:$0x5] =	wrdreg $0x9  }
0xb3: {  	_ =	task.clear_ibuf [dreg:s8], $0x6FFFF;
	_ =	strace $0x90000046  }
0xb4: {  	s29 =	simm.s32 $0x9;
	_ =	strace $0x80000048  }
0xb5: {  	_ =	swait.ge [sflag:s29], $0x1  }
0xb6: {  	[sflag:s29] =	ssyncadd.s32 $0xFFFFFFFF  }
0xb7: {  	_ =	strace $0x90000048  }
0xb8: {  	_ =	sfence  }
0xb9: {  	s30 =	sld [smem:$0x0];
	_ =	sdelay $0x2  }
0xba: {  	s31 =	sshll.u32 s1, $0xD;
	s1 =	sshrl.u32 s1, $0x2  }
0xbb: {  	s3 =	sand.u32 $0x4000, s31;
	s1 =	sadd.s32 s1, s30  }
0xbc: {  	s0 =	sor.u32 s3, s0;
	s1 =	sshll.u32 s1, $0x11  }
0xbd: {  	s0 =	sor.u32 s1, s0  }
0xbe: {  	s0 =	sadd.s32 $0x8F2B, s0  }
0xbf: {  	[sflag:s0] =	ssyncadd.remote.s32 $0x1  }
0xc0: {  	_ =	sfence.sel $0xFFFF  }
0xc1: {  	[dreg:$0x0] =	wrdreg $0xFFFFFFFF;
	(pc) =	sbr.abs _section_cstart, $3  }
0xc2: {  	[dreg:$0x1] =	wrdreg $0xFFFFFFFF  }
0xc3: {  	_ =	task.clear_ibuf [dreg:s8], $0x2FFFF;
	_ =	strace $0x9FFFFFFF  }
0xc4: {  	(tm) =	ssettm $0x7FFFFFFF  }
0xc5: {  	_ =	shalt  }
tec
execute0_lowered:
.L_overlay_start_1:
0x0: {  	(tag) =	ssettag $0x1  }
0x1: {  	s9 =	rddreg [dreg:$0x0]  }
0x2: {  	s1 =	srdreg.scid;
	s10 =	rddreg [dreg:$0x1]  }
0x3: {  	s0 =	stileid.u32;
	s12 =	rddreg [dreg:$0x2];
	s2 =	simm.s32 $0x0  }
0x4: {  	s16 =	simm.s32 $0x3;
	s3 =	sand.u32 $0x1, s1;
	s30 =	sshll.u32 s0, $0x1  }
0x5: {  	s17 =	simm.s32 $0x18000;
	s18 =	simm.s32 $0x4;
	s11 =	sor.u32 s3, s30  }
0x6: {  	s19 =	simm.s32 $0x0;
	[smem:$0x7FF] =	sst s2;
	s4 =	smul.u32 $0xC000, s11  }
0x7: {  	s1 =	rddreg [dreg:$0x3];
	s3 =	ssub.s32 $0x2, s3;
	_ =	strace $0x80000047  }
0x8: {  	s5 =	sshrl.u32 s3, $0x1;
	s31 =	sshll.u32 s11, $0x2;
	s13 =	sshrl.u32 s4, $0x3  }
0x9: {  	s14 =	ssub.s32 s3, s5;
	s12 =	sadd.s32 s12, s31;
	s4 =	sadd.s32 $0xD0000, s13  }
0xa: {  	s15 =	sadd.s32 s10, s13;
	s7 =	sadd.s32 $0xD0800, s13;
	s13 =	sadd.s32 $0xD1000, s13  }
0xb: {  	s3 =	sadd.s32 s9, s4;
	s4 =	sadd.s32 s10, s4;
	s5 =	sadd.s32 $0x1D0000, s15  }
0xc: {  	s6 =	sadd.s32 s9, s7;
	s7 =	sadd.s32 s10, s7;
	s8 =	sadd.s32 $0x1D0800, s15  }
0xd: {  	s9 =	sadd.s32 s9, s13;
	s10 =	sadd.s32 s10, s13;
	s11 =	sadd.s32 $0x1D1000, s15  }
0xe: {  	v0 =	vimm.f32 $0.0e+00;
	s13 =	smax.u32 s14, $0x1;
	s14 =	simm.s32 $0x1;
	s15 =	simm.s32 $0x2  }
.LBB2_1:
0xf: {  	s20 =	simm.s32 $0x10  }
0x10: {  	s23 =	sadd.s32 $0x0, s3;
	s21 =	simm.s32 $0x100;
	s22 =	simm.s32 $0x0  }
.LBB2_2:
0x11: {  	[tilespmem:s22], [sflag:$0x1] =	stream.linear.gather [hbm4b:s23+s2], $0x80, $0x38;
	[tilespmem:$0x18080] =	vst v63  }
0x12: {  	s23 =	smov.u32 s20;
	s22 =	smov.u32 s21;
	p0 =	sne.s32 s20, $0x7F0  }
.Ltmp0:
0x13: {  	s20 =	sadd.s32 $0x10, s20;
	(pc) =	sbr.rel @p0 .LBB2_2-.Ltmp0, $2  }
0x14: {  	_ =	sdelay $0x2  }
0x15: {  	s21 =	sadd.s32 $0x100, s21;
	s23 =	sadd.s32 s23, s3  }
0x16: {  	[tilespmem:s22], [sflag:$0x1] =	stream.linear.gather [hbm4b:s23+s2], $0x80, $0x38;
	[tilespmem:$0x18080] =	vst v63  }
0x17: {  	s20 =	simm.s32 $0x8000  }
0x18: {  	s21 =	simm.s32 $0x10;
	s23 =	sadd.s32 $0x0, s4;
	s22 =	simm.s32 $0x8100  }
.LBB2_4:
0x19: {  	[tilespmem:s20], [sflag:$0x2] =	stream.linear.gather [hbm4b:s23+s2], $0x80, $0x38;
	[tilespmem:$0x18080] =	vst v63  }
0x1a: {  	s23 =	smov.u32 s21;
	s20 =	smov.u32 s22;
	p0 =	sne.s32 s21, $0x7F0  }
.Ltmp1:
0x1b: {  	s21 =	sadd.s32 $0x10, s21;
	(pc) =	sbr.rel @p0 .LBB2_4-.Ltmp1, $2  }
0x1c: {  	_ =	sdelay $0x2  }
0x1d: {  	s22 =	sadd.s32 $0x100, s22;
	s23 =	sadd.s32 s23, s4  }
0x1e: {  	[tilespmem:s20], [sflag:$0x2] =	stream.linear.gather [hbm4b:s23+s2], $0x80, $0x38;
	[tilespmem:$0x18080] =	vst v63  }
0x1f: {  	s20 =	simm.s32 $0x10000  }
0x20: {  	s21 =	simm.s32 $0x10;
	s23 =	sadd.s32 $0x0, s5;
	s22 =	simm.s32 $0x10100  }
.LBB2_6:
0x21: {  	[tilespmem:s20], [sflag:$0x3] =	stream.linear.gather [hbm4b:s23+s2], $0x80, $0x38;
	[tilespmem:$0x18080] =	vst v63  }
0x22: {  	s23 =	smov.u32 s21;
	s20 =	smov.u32 s22;
	p0 =	sne.s32 s21, $0x7F0  }
.Ltmp2:
0x23: {  	s21 =	sadd.s32 $0x10, s21;
	(pc) =	sbr.rel @p0 .LBB2_6-.Ltmp2, $2  }
0x24: {  	_ =	sdelay $0x2  }
0x25: {  	s22 =	sadd.s32 $0x100, s22;
	s23 =	sadd.s32 s23, s5  }
0x26: {  	[tilespmem:s20], [sflag:$0x3] =	stream.linear.gather [hbm4b:s23+s2], $0x80, $0x38;
	[tilespmem:$0x18080] =	vst v63  }
0x27: {  	s20 =	simm.s32 $0x80  }
0x28: {  	s21 =	simm.s32 $0x10;
	s23 =	sadd.s32 $0x0, s6;
	s22 =	simm.s32 $0x180  }
.LBB2_8:
0x29: {  	[tilespmem:s20], [sflag:$0x1] =	stream.linear.gather [hbm4b:s23+s2], $0x80, $0x38;
	[tilespmem:$0x18080] =	vst v63  }
0x2a: {  	s23 =	smov.u32 s21;
	s20 =	smov.u32 s22;
	p0 =	sne.s32 s21, $0x7F0  }
.Ltmp3:
0x2b: {  	s21 =	sadd.s32 $0x10, s21;
	(pc) =	sbr.rel @p0 .LBB2_8-.Ltmp3, $2  }
0x2c: {  	_ =	sdelay $0x2  }
0x2d: {  	s22 =	sadd.s32 $0x100, s22;
	s23 =	sadd.s32 s23, s6  }
0x2e: {  	[tilespmem:s20], [sflag:$0x1] =	stream.linear.gather [hbm4b:s23+s2], $0x80, $0x38;
	[tilespmem:$0x18080] =	vst v63  }
0x2f: {  	s20 =	simm.s32 $0x8080  }
0x30: {  	s21 =	simm.s32 $0x10;
	s23 =	sadd.s32 $0x0, s7;
	s22 =	simm.s32 $0x8180  }
.LBB2_10:
0x31: {  	[tilespmem:s20], [sflag:$0x2] =	stream.linear.gather [hbm4b:s23+s2], $0x80, $0x38;
	[tilespmem:$0x18080] =	vst v63  }
0x32: {  	s23 =	smov.u32 s21;
	s20 =	smov.u32 s22;
	p0 =	sne.s32 s21, $0x7F0  }
.Ltmp4:
0x33: {  	s21 =	sadd.s32 $0x10, s21;
	(pc) =	sbr.rel @p0 .LBB2_10-.Ltmp4, $2  }
0x34: {  	_ =	sdelay $0x2  }
0x35: {  	s22 =	sadd.s32 $0x100, s22;
	s23 =	sadd.s32 s23, s7  }
0x36: {  	[tilespmem:s20], [sflag:$0x2] =	stream.linear.gather [hbm4b:s23+s2], $0x80, $0x38;
	[tilespmem:$0x18080] =	vst v63  }
0x37: {  	s20 =	simm.s32 $0x10080  }
0x38: {  	s21 =	simm.s32 $0x10;
	s23 =	sadd.s32 $0x0, s8;
	s22 =	simm.s32 $0x10180  }
.LBB2_12:
0x39: {  	[tilespmem:s20], [sflag:$0x3] =	stream.linear.gather [hbm4b:s23+s2], $0x80, $0x38;
	[tilespmem:$0x18080] =	vst v63  }
0x3a: {  	s23 =	smov.u32 s21;
	s20 =	smov.u32 s22;
	p0 =	sne.s32 s21, $0x7F0  }
.Ltmp5:
0x3b: {  	s21 =	sadd.s32 $0x10, s21;
	(pc) =	sbr.rel @p0 .LBB2_12-.Ltmp5, $2  }
0x3c: {  	_ =	sdelay $0x2  }
0x3d: {  	s22 =	sadd.s32 $0x100, s22;
	s23 =	sadd.s32 s23, s8  }
0x3e: {  	[tilespmem:s20], [sflag:$0x3] =	stream.linear.gather [hbm4b:s23+s2], $0x80, $0x38;
	[tilespmem:$0x18080] =	vst v63  }
0x3f: {  	_ =	swait.ge [sflag:s14], $0x4000  }
0x40: {  	[sflag:s14] =	ssyncset.done $0x0  }
0x41: {  	[sflag:s14] =	ssyncadd.s32 $0xFFFFC000  }
0x42: {  	_ =	swait.ge [sflag:s15], $0x4000  }
0x43: {  	[sflag:s15] =	ssyncset.done $0x0  }
0x44: {  	[sflag:s15] =	ssyncadd.s32 $0xFFFFC000  }
0x45: {  	_ =	swait.ge [sflag:s16], $0x4000  }
0x46: {  	[sflag:s16] =	ssyncset.done $0x0  }
0x47: {  	s20 =	simm.s32 $0x0;
	[sflag:s16] =	ssyncadd.s32 $0xFFFFC000  }
0x48: {  	v2 =	vld [tilespmem:s20+$0x10060]  }
0x49: {  	v1 =	vld [tilespmem:s20+$0x10050]  }
0x4a: {  	v5 =	vld [tilespmem:s20+$0x10040]  }
0x4b: {  	v3 =	vld [tilespmem:s20+$0x10030]  }
0x4c: {  	v6 =	vld [tilespmem:s20+$0x10020]  }
0x4d: {  	v9 =	vld [tilespmem:s20+$0x10010]  }
0x4e: {  	v4 =	vld [tilespmem:s20+$0x20]  }
0x4f: {  	v10 =	vld [tilespmem:s20+$0x10000]  }
0x50: {  	v7 =	vimm.f32 $0.0e+00;
	s21 =	simm.s32 $0x400;
	v8 =	vimm.f32 $0.0e+00;
	v11 =	vld [tilespmem:s20+$0x0]  }
.LBB2_14:
0x51: {  	p0 =	sne.s32 s21, $0x1FC00;
	v12 =	vld [tilespmem:s20+$0x8000]  }
0x52: {  	v13 =	vld [tilespmem:s20+$0x10]  }
0x53: {  	v14 =	vld [tilespmem:s20+$0x8010]  }
0x54: {  	v15 =	vld [tilespmem:s20+$0x8020]  }
0x55: {  	vm0 =	vgt.f32 v2, $0.0e+00;
	v16 =	vld [tilespmem:s20+$0x30]  }
0x56: {  	vm2 =	vgt.f32 v5, $0.0e+00;
	vm1 =	vgt.f32 v1, $0.0e+00;
	v2 =	vsub.f32 v11, v12;
	v11 =	vld [tilespmem:s20+$0x8030]  }
0x57: {  	vm5 =	vgt.f32 v6, $0.0e+00;
	vm3 =	vgt.f32 v3, $0.0e+00;
	vm4 =	vgt.f32 v9, $0.0e+00;
	v1 =	vld [tilespmem:s20+$0x40]  }
0x58: {  	vm6 =	vgt.f32 v10, $0.0e+00;
	v2 =	vand.u32 $0x7FFFFFFF, v2;
	v3 =	vsub.f32 v13, v14;
	v5 =	vld [tilespmem:s20+$0x8040]  }
0x59: {  	v6 =	vsel vm6, $0x3F800000, v0;
	v2 =	vnsel vm6, $0x0, v2;
	v4 =	vsub.f32 v4, v15;
	v9 =	vld [tilespmem:s20+$0x50]  }
0x5a: {  	v6 =	vadd.f32 v6, v8;
	v2 =	vadd.f32 v2, v7;
	v3 =	vand.u32 $0x7FFFFFFF, v3;
	v7 =	vld [tilespmem:s20+$0x8050]  }
0x5b: {  	v8 =	vsel vm4, $0x3F800000, v0;
	v3 =	vnsel vm4, $0x0, v3;
	v10 =	vsub.f32 v16, v11;
	v11 =	vld [tilespmem:s20+$0x60]  }
0x5c: {  	v4 =	vand.u32 $0x7FFFFFFF, v4;
	v2 =	vadd.f32 v3, v2;
	v3 =	vadd.f32 v8, v6;
	v6 =	vld [tilespmem:s20+$0x8060]  }
0x5d: {  	v4 =	vnsel vm5, $0x0, v4;
	v8 =	vsel vm5, $0x3F800000, v0;
	v1 =	vsub.f32 v1, v5;
	v12 =	vld [tilespmem:s20+$0x70]  }
0x5e: {  	v4 =	vadd.f32 v4, v2;
	v3 =	vadd.f32 v8, v3;
	v2 =	vand.u32 $0x7FFFFFFF, v10;
	v8 =	vld [tilespmem:s20+$0x8070]  }
0x5f: {  	v10 =	vsel vm3, $0x3F800000, v0;
	v5 =	vnsel vm3, $0x0, v2;
	v7 =	vsub.f32 v9, v7;
	v13 =	vld [tilespmem:s20+$0x10070];
	s20 =	sshra.s32 s21, $0x2  }
0x60: {  	v2 =	vld [tilespmem:s20+$0x10060];
	v4 =	vadd.f32 v5, v4;
	v3 =	vadd.f32 v10, v3;
	v5 =	vand.u32 $0x7FFFFFFF, v1  }
0x61: {  	v10 =	vsel vm2, $0x3F800000, v0;
	v1 =	vld [tilespmem:s20+$0x10050];
	v9 =	vnsel vm2, $0x0, v5;
	v11 =	vsub.f32 v11, v6  }
0x62: {  	v6 =	vand.u32 $0x7FFFFFFF, v7;
	v5 =	vld [tilespmem:s20+$0x10040];
	v4 =	vadd.f32 v9, v4;
	v9 =	vadd.f32 v10, v3  }
0x63: {  	v7 =	vnsel vm1, $0x0, v6;
	v10 =	vsel vm1, $0x3F800000, v0;
	v3 =	vld [tilespmem:s20+$0x10030];
	v8 =	vsub.f32 v12, v8  }
.Ltmp6:
0x64: {  	v6 =	vld [tilespmem:s20+$0x10020];
	v7 =	vadd.f32 v7, v4;
	v10 =	vadd.f32 v10, v9;
	v4 =	vand.u32 $0x7FFFFFFF, v11;
	(pc) =	sbr.rel @p0 .LBB2_14-.Ltmp6, $4  }
0x65: {  	v12 =	vsel vm0, $0x3F800000, v0;
	v9 =	vld [tilespmem:s20+$0x10010];
	v11 =	vnsel vm0, $0x0, v4;
	vm0 =	vgt.f32 v13, $0.0e+00  }
0x66: {  	v8 =	vand.u32 $0x7FFFFFFF, v8;
	v4 =	vld [tilespmem:s20+$0x20];
	v7 =	vadd.f32 v11, v7;
	v12 =	vadd.f32 v12, v10  }
0x67: {  	v8 =	vnsel vm0, $0x0, v8;
	v13 =	vsel vm0, $0x3F800000, v0;
	v10 =	vld [tilespmem:s20+$0x10000]  }
0x68: {  	s21 =	sadd.s32 $0x400, s21;
	v11 =	vld [tilespmem:s20+$0x0];
	v7 =	vadd.f32 v8, v7;
	v8 =	vadd.f32 v13, v12  }
0x69: {  	v12 =	vld [tilespmem:s20+$0x8000]  }
0x6a: {  	v13 =	vld [tilespmem:s20+$0x10]  }
0x6b: {  	v14 =	vld [tilespmem:s20+$0x8010]  }
0x6c: {  	v15 =	vld [tilespmem:s20+$0x8020]  }
0x6d: {  	v16 =	vld [tilespmem:s20+$0x30];
	vm0 =	vgt.f32 v2, $0.0e+00  }
0x6e: {  	v45 =	vld [tilespmem:s20+$0x8030];
	vm2 =	vgt.f32 v5, $0.0e+00;
	vm1 =	vgt.f32 v1, $0.0e+00;
	v2 =	vsub.f32 v11, v12  }
0x6f: {  	vm4 =	vgt.f32 v6, $0.0e+00;
	vm5 =	vgt.f32 v3, $0.0e+00;
	v1 =	vld [tilespmem:s20+$0x40];
	vm3 =	vgt.f32 v9, $0.0e+00  }
0x70: {  	v46 =	vld [tilespmem:s20+$0x8040];
	vm6 =	vgt.f32 v10, $0.0e+00;
	v3 =	vsub.f32 v13, v14;
	v2 =	vand.u32 $0x7FFFFFFF, v2  }
0x71: {  	v48 =	vld [tilespmem:s20+$0x50];
	v47 =	vsel vm6, $0x3F800000, v0;
	v4 =	vsub.f32 v4, v15;
	v2 =	vnsel vm6, $0x0, v2  }
0x72: {  	v49 =	vld [tilespmem:s20+$0x8050];
	v6 =	vadd.f32 v47, v8;
	v3 =	vand.u32 $0x7FFFFFFF, v3;
	v2 =	vadd.f32 v2, v7  }
0x73: {  	v52 =	vld [tilespmem:s20+$0x60];
	v50 =	vsel vm3, $0x3F800000, v0;
	v51 =	vsub.f32 v16, v45;
	v3 =	vnsel vm3, $0x0, v3  }
0x74: {  	v53 =	vld [tilespmem:s20+$0x8060];
	v4 =	vand.u32 $0x7FFFFFFF, v4;
	v2 =	vadd.f32 v3, v2;
	v3 =	vadd.f32 v50, v6  }
0x75: {  	v55 =	vld [tilespmem:s20+$0x70];
	v54 =	vsel vm4, $0x3F800000, v0;
	v1 =	vsub.f32 v1, v46;
	v4 =	vnsel vm4, $0x0, v4  }
0x76: {  	v57 =	vld [tilespmem:s20+$0x8070];
	v56 =	vand.u32 $0x7FFFFFFF, v51;
	v2 =	vadd.f32 v4, v2;
	v3 =	vadd.f32 v54, v3  }
0x77: {  	v58 =	vsel vm5, $0x3F800000, v0;
	v7 =	vsub.f32 v48, v49;
	v4 =	vnsel vm5, $0x0, v56  }
0x78: {  	v59 =	vld [tilespmem:s20+$0x10070];
	v1 =	vand.u32 $0x7FFFFFFF, v1;
	v2 =	vadd.f32 v4, v2;
	v3 =	vadd.f32 v58, v3  }
0x79: {  	v60 =	vsel vm2, $0x3F800000, v0;
	v1 =	vnsel vm2, $0x0, v1;
	v6 =	vsub.f32 v52, v53  }
0x7a: {  	v1 =	vadd.f32 v1, v2;
	v2 =	vadd.f32 v60, v3;
	v3 =	vand.u32 $0x7FFFFFFF, v7  }
0x7b: {  	v61 =	vsel vm1, $0x3F800000, v0;
	v5 =	vsub.f32 v55, v57;
	v3 =	vnsel vm1, $0x0, v3  }
0x7c: {  	v1 =	vadd.f32 v3, v1;
	v2 =	vadd.f32 v61, v2;
	v3 =	vand.u32 $0x7FFFFFFF, v6  }
0x7d: {  	v62 =	vsel vm0, $0x3F800000, v0;
	vm15 =	vgt.f32 v59, $0.0e+00;
	v3 =	vnsel vm0, $0x0, v3  }
0x7e: {  	v1 =	vadd.f32 v3, v1;
	v3 =	vadd.f32 v62, v2;
	v2 =	vand.u32 $0x7FFFFFFF, v5  }
0x7f: {  	s20 =	simm.s32 $0x0;
	v63 =	vsel vm15, $0x3F800000, v0;
	v2 =	vnsel vm15, $0x0, v2  }
0x80: {  	s21 =	simm.s32 $0x10;
	s23 =	sadd.s32 $0x0, s9;
	s22 =	simm.s32 $0x100;
	v2 =	vadd.f32 v2, v1;
	v1 =	vadd.f32 v63, v3  }
.LBB2_16:
0x81: {  	[tilespmem:s20], [sflag:$0x1] =	stream.linear.gather [hbm4b:s23+s2], $0x80, $0x38;
	[tilespmem:$0x18080] =	vst v63  }
0x82: {  	s23 =	smov.u32 s21;
	s20 =	smov.u32 s22;
	p0 =	sne.s32 s21, $0x7F0  }
.Ltmp7:
0x83: {  	s21 =	sadd.s32 $0x10, s21;
	(pc) =	sbr.rel @p0 .LBB2_16-.Ltmp7, $2  }
0x84: {  	_ =	sdelay $0x2  }
0x85: {  	s22 =	sadd.s32 $0x100, s22;
	s23 =	sadd.s32 s23, s9  }
0x86: {  	[tilespmem:s20], [sflag:$0x1] =	stream.linear.gather [hbm4b:s23+s2], $0x80, $0x38;
	[tilespmem:$0x18080] =	vst v63  }
0x87: {  	s20 =	simm.s32 $0x8000  }
0x88: {  	s21 =	simm.s32 $0x10;
	s23 =	sadd.s32 $0x0, s10;
	s22 =	simm.s32 $0x8100  }
.LBB2_18:
0x89: {  	[tilespmem:s20], [sflag:$0x2] =	stream.linear.gather [hbm4b:s23+s2], $0x80, $0x38;
	[tilespmem:$0x18080] =	vst v63  }
0x8a: {  	s23 =	smov.u32 s21;
	s20 =	smov.u32 s22;
	p0 =	sne.s32 s21, $0x7F0  }
.Ltmp8:
0x8b: {  	s21 =	sadd.s32 $0x10, s21;
	(pc) =	sbr.rel @p0 .LBB2_18-.Ltmp8, $2  }
0x8c: {  	_ =	sdelay $0x2  }
0x8d: {  	s22 =	sadd.s32 $0x100, s22;
	s23 =	sadd.s32 s23, s10  }
0x8e: {  	[tilespmem:s20], [sflag:$0x2] =	stream.linear.gather [hbm4b:s23+s2], $0x80, $0x38;
	[tilespmem:$0x18080] =	vst v63  }
0x8f: {  	s20 =	simm.s32 $0x10000  }
0x90: {  	s21 =	simm.s32 $0x10;
	s23 =	sadd.s32 $0x0, s11;
	s22 =	simm.s32 $0x10100  }
.LBB2_20:
0x91: {  	[tilespmem:s20], [sflag:$0x3] =	stream.linear.gather [hbm4b:s23+s2], $0x80, $0x38;
	[tilespmem:$0x18080] =	vst v63  }
0x92: {  	s23 =	smov.u32 s21;
	s20 =	smov.u32 s22;
	p0 =	sne.s32 s21, $0x7F0  }
.Ltmp9:
0x93: {  	s21 =	sadd.s32 $0x10, s21;
	(pc) =	sbr.rel @p0 .LBB2_20-.Ltmp9, $2  }
0x94: {  	_ =	sdelay $0x2  }
0x95: {  	s22 =	sadd.s32 $0x100, s22;
	s23 =	sadd.s32 s23, s11  }
0x96: {  	[tilespmem:s20], [sflag:$0x3] =	stream.linear.gather [hbm4b:s23+s2], $0x80, $0x38;
	[tilespmem:$0x18080] =	vst v63  }
0x97: {  	_ =	swait.ge [sflag:s14], $0x4000  }
0x98: {  	[sflag:s14] =	ssyncset.done $0x0  }
0x99: {  	[sflag:s14] =	ssyncadd.s32 $0xFFFFC000  }
0x9a: {  	_ =	swait.ge [sflag:s15], $0x4000  }
0x9b: {  	[sflag:s15] =	ssyncset.done $0x0  }
0x9c: {  	[sflag:s15] =	ssyncadd.s32 $0xFFFFC000  }
0x9d: {  	_ =	swait.ge [sflag:s16], $0x4000  }
0x9e: {  	[sflag:s16] =	ssyncset.done $0x0  }
0x9f: {  	s20 =	simm.s32 $0x0;
	[sflag:s16] =	ssyncadd.s32 $0xFFFFC000  }
0xa0: {  	v5 =	vld [tilespmem:s20+$0x100E0]  }
0xa1: {  	v3 =	vld [tilespmem:s20+$0x100D0]  }
0xa2: {  	v6 =	vld [tilespmem:s20+$0x100C0]  }
0xa3: {  	v4 =	vld [tilespmem:s20+$0x100B0]  }
0xa4: {  	v7 =	vld [tilespmem:s20+$0x100A0]  }
0xa5: {  	v9 =	vld [tilespmem:s20+$0x10090]  }
0xa6: {  	v8 =	vld [tilespmem:s20+$0xA0]  }
0xa7: {  	v10 =	vld [tilespmem:s20+$0x10080]  }
0xa8: {  	s21 =	simm.s32 $0x400;
	v11 =	vld [tilespmem:s20+$0x80]  }
.LBB2_22:
0xa9: {  	p0 =	sne.s32 s21, $0x1FC00;
	v12 =	vld [tilespmem:s20+$0x8080]  }
0xaa: {  	v13 =	vld [tilespmem:s20+$0x90]  }
0xab: {  	v14 =	vld [tilespmem:s20+$0x8090]  }
0xac: {  	v15 =	vld [tilespmem:s20+$0x80A0]  }
0xad: {  	vm0 =	vgt.f32 v5, $0.0e+00;
	v16 =	vld [tilespmem:s20+$0xB0]  }
0xae: {  	vm2 =	vgt.f32 v6, $0.0e+00;
	vm1 =	vgt.f32 v3, $0.0e+00;
	v5 =	vsub.f32 v11, v12;
	v11 =	vld [tilespmem:s20+$0x80B0]  }
0xaf: {  	vm5 =	vgt.f32 v7, $0.0e+00;
	vm3 =	vgt.f32 v4, $0.0e+00;
	vm4 =	vgt.f32 v9, $0.0e+00;
	v3 =	vld [tilespmem:s20+$0xC0]  }
0xb0: {  	vm6 =	vgt.f32 v10, $0.0e+00;
	v4 =	vand.u32 $0x7FFFFFFF, v5;
	v5 =	vsub.f32 v13, v14;
	v6 =	vld [tilespmem:s20+$0x80C0]  }
0xb1: {  	v7 =	vsel vm6, $0x3F800000, v0;
	v4 =	vnsel vm6, $0x0, v4;
	v8 =	vsub.f32 v8, v15;
	v9 =	vld [tilespmem:s20+$0xD0]  }
0xb2: {  	v1 =	vadd.f32 v7, v1;
	v2 =	vadd.f32 v4, v2;
	v4 =	vand.u32 $0x7FFFFFFF, v5;
	v5 =	vld [tilespmem:s20+$0x80D0]  }
0xb3: {  	v7 =	vsel vm4, $0x3F800000, v0;
	v4 =	vnsel vm4, $0x0, v4;
	v10 =	vsub.f32 v16, v11;
	v11 =	vld [tilespmem:s20+$0xE0]  }
0xb4: {  	v1 =	vadd.f32 v7, v1;
	v2 =	vadd.f32 v4, v2;
	v4 =	vand.u32 $0x7FFFFFFF, v8;
	v7 =	vld [tilespmem:s20+$0x80E0]  }
0xb5: {  	v8 =	vsel vm5, $0x3F800000, v0;
	v4 =	vnsel vm5, $0x0, v4;
	v3 =	vsub.f32 v3, v6;
	v12 =	vld [tilespmem:s20+$0xF0]  }
0xb6: {  	v1 =	vadd.f32 v8, v1;
	v2 =	vadd.f32 v4, v2;
	v4 =	vand.u32 $0x7FFFFFFF, v10;
	v8 =	vld [tilespmem:s20+$0x80F0]  }
0xb7: {  	v6 =	vsel vm3, $0x3F800000, v0;
	v4 =	vnsel vm3, $0x0, v4;
	v9 =	vsub.f32 v9, v5;
	v10 =	vld [tilespmem:s20+$0x100F0];
	s20 =	sshra.s32 s21, $0x2  }
0xb8: {  	v1 =	vadd.f32 v6, v1;
	v5 =	vld [tilespmem:s20+$0x100E0];
	v2 =	vadd.f32 v4, v2;
	v4 =	vand.u32 $0x7FFFFFFF, v3  }
0xb9: {  	v13 =	vsel vm2, $0x3F800000, v0;
	v3 =	vld [tilespmem:s20+$0x100D0];
	v4 =	vnsel vm2, $0x0, v4;
	v11 =	vsub.f32 v11, v7  }
0xba: {  	v1 =	vadd.f32 v13, v1;
	v7 =	vand.u32 $0x7FFFFFFF, v9;
	v6 =	vld [tilespmem:s20+$0x100C0];
	v2 =	vadd.f32 v4, v2  }
0xbb: {  	v13 =	vsel vm1, $0x3F800000, v0;
	v9 =	vnsel vm1, $0x0, v7;
	v4 =	vld [tilespmem:s20+$0x100B0];
	v12 =	vsub.f32 v12, v8  }
.Ltmp10:
0xbc: {  	v1 =	vadd.f32 v13, v1;
	v8 =	vand.u32 $0x7FFFFFFF, v11;
	v7 =	vld [tilespmem:s20+$0x100A0];
	v2 =	vadd.f32 v9, v2;
	(pc) =	sbr.rel @p0 .LBB2_22-.Ltmp10, $4  }
0xbd: {  	v13 =	vsel vm0, $0x3F800000, v0;
	v11 =	vnsel vm0, $0x0, v8;
	vm0 =	vgt.f32 v10, $0.0e+00;
	v9 =	vld [tilespmem:s20+$0x10090]  }
0xbe: {  	v1 =	vadd.f32 v13, v1;
	v8 =	vld [tilespmem:s20+$0xA0];
	v2 =	vadd.f32 v11, v2;
	v11 =	vand.u32 $0x7FFFFFFF, v12  }
0xbf: {  	v13 =	vsel vm0, $0x3F800000, v0;
	v10 =	vld [tilespmem:s20+$0x10080];
	v12 =	vnsel vm0, $0x0, v11  }
0xc0: {  	s21 =	sadd.s32 $0x400, s21;
	v1 =	vadd.f32 v13, v1;
	v11 =	vld [tilespmem:s20+$0x80];
	v2 =	vadd.f32 v12, v2  }
0xc1: {  	v12 =	vld [tilespmem:s20+$0x8080]  }
0xc2: {  	v13 =	vld [tilespmem:s20+$0x90]  }
0xc3: {  	v14 =	vld [tilespmem:s20+$0x8090]  }
0xc4: {  	v15 =	vld [tilespmem:s20+$0x80A0]  }
0xc5: {  	v16 =	vld [tilespmem:s20+$0xB0]  }
0xc6: {  	v17 =	vld [tilespmem:s20+$0x80B0]  }
0xc7: {  	v18 =	vld [tilespmem:s20+$0xC0]  }
0xc8: {  	v19 =	vld [tilespmem:s20+$0x80C0]  }
0xc9: {  	v20 =	vld [tilespmem:s20+$0xD0]  }
0xca: {  	v21 =	vld [tilespmem:s20+$0x80D0]  }
0xcb: {  	v22 =	vld [tilespmem:s20+$0xE0]  }
0xcc: {  	v61 =	vld [tilespmem:s20+$0x80E0];
	vm13 =	vgt.f32 v5, $0.0e+00;
	vm14 =	vgt.f32 v6, $0.0e+00;
	vm2 =	vgt.f32 v3, $0.0e+00  }
0xcd: {  	v23 =	vld [tilespmem:s20+$0xF0];
	vm3 =	vgt.f32 v7, $0.0e+00;
	vm4 =	vgt.f32 v4, $0.0e+00;
	v11 =	vsub.f32 v11, v12  }
0xce: {  	v62 =	vld [tilespmem:s20+$0x100F0];
	vm1 =	vgt.f32 v9, $0.0e+00;
	v4 =	vsel vm3, $0x3F800000, v0;
	vm0 =	vgt.f32 v10, $0.0e+00  }
0xcf: {  	v7 =	vsel vm14, $0x3F800000, v0;
	v9 =	vsel vm0, $0x3F800000, v0;
	v10 =	vand.u32 $0x7FFFFFFF, v11;
	v11 =	vld [tilespmem:s20+$0x80F0];
	_ =	swait.ge [sflag:s14], $0x4000  }
0xd0: {  	v5 =	vsel vm1, $0x3F800000, v0;
	v13 =	vsub.f32 v13, v14;
	v1 =	vadd.f32 v9, v1;
	[sflag:s14] =	ssyncset.done $0x0  }
0xd1: {  	v8 =	vsub.f32 v8, v15;
	v9 =	vsub.f32 v16, v17;
	v10 =	vnsel vm0, $0x0, v10;
	[sflag:s14] =	ssyncadd.s32 $0xFFFFC000  }
0xd2: {  	v1 =	vadd.f32 v5, v1;
	v2 =	vadd.f32 v10, v2;
	v10 =	vand.u32 $0x7FFFFFFF, v13;
	_ =	swait.ge [sflag:s15], $0x4000  }
0xd3: {  	v6 =	vsub.f32 v20, v21;
	v5 =	vsub.f32 v18, v19;
	v10 =	vnsel vm1, $0x0, v10;
	[sflag:s15] =	ssyncset.done $0x0  }
0xd4: {  	v3 =	vand.u32 $0x7FFFFFFF, v8;
	v1 =	vadd.f32 v4, v1;
	v2 =	vadd.f32 v10, v2;
	[sflag:s15] =	ssyncadd.s32 $0xFFFFC000  }
0xd5: {  	v8 =	vsub.f32 v22, v61;
	v3 =	vnsel vm3, $0x0, v3;
	v4 =	vsel vm4, $0x3F800000, v0;
	_ =	swait.ge [sflag:s16], $0x4000  }
0xd6: {  	v4 =	vadd.f32 v4, v1;
	v2 =	vadd.f32 v3, v2;
	v3 =	vand.u32 $0x7FFFFFFF, v9;
	[sflag:s16] =	ssyncset.done $0x0  }
0xd7: {  	vm15 =	vgt.f32 v62, $0.0e+00;
	s20 =	simm.s32 $0x0;
	v8 =	vand.u32 $0x7FFFFFFF, v8;
	v3 =	vnsel vm4, $0x0, v3;
	[sflag:s16] =	ssyncadd.s32 $0xFFFFC000  }
0xd8: {  	v7 =	vadd.f32 v7, v4;
	v3 =	vadd.f32 v3, v2;
	v2 =	vand.u32 $0x7FFFFFFF, v5;
	v1 =	vld [tilespmem:s20+$0x10060]  }
0xd9: {  	v10 =	vsub.f32 v23, v11;
	v9 =	vsel vm2, $0x3F800000, v0;
	v5 =	vnsel vm14, $0x0, v2;
	v2 =	vld [tilespmem:s20+$0x10050]  }
0xda: {  	v7 =	vadd.f32 v9, v7;
	v4 =	vld [tilespmem:s20+$0x10040];
	v5 =	vadd.f32 v5, v3;
	v3 =	vand.u32 $0x7FFFFFFF, v6  }
0xdb: {  	v11 =	vsel vm13, $0x3F800000, v0;
	v10 =	vand.u32 $0x7FFFFFFF, v10;
	v9 =	vld [tilespmem:s20+$0x10010];
	v6 =	vnsel vm2, $0x0, v3  }
0xdc: {  	v7 =	vadd.f32 v11, v7;
	v11 =	vnsel vm15, $0x0, v10;
	v10 =	vld [tilespmem:s20+$0x10000];
	v5 =	vadd.f32 v6, v5  }
0xdd: {  	v8 =	vnsel vm13, $0x0, v8;
	v3 =	vld [tilespmem:s20+$0x10030]  }
0xde: {  	v6 =	vld [tilespmem:s20+$0x10020];
	v8 =	vadd.f32 v8, v5  }
0xdf: {  	v63 =	vsel vm15, $0x3F800000, v0;
	v5 =	vld [tilespmem:s20+$0x20]  }
0xe0: {  	s21 =	simm.s32 $0x400;
	v7 =	vadd.f32 v63, v7;
	v8 =	vadd.f32 v11, v8;
	v11 =	vld [tilespmem:s20+$0x0]  }
.LBB2_24:
0xe1: {  	p0 =	sne.s32 s21, $0x1FC00;
	v12 =	vld [tilespmem:s20+$0x8000]  }
0xe2: {  	v13 =	vld [tilespmem:s20+$0x10]  }
0xe3: {  	v14 =	vld [tilespmem:s20+$0x8010]  }
0xe4: {  	v15 =	vld [tilespmem:s20+$0x8020]  }
0xe5: {  	vm0 =	vgt.f32 v1, $0.0e+00;
	v16 =	vld [tilespmem:s20+$0x30]  }
0xe6: {  	vm2 =	vgt.f32 v4, $0.0e+00;
	vm1 =	vgt.f32 v2, $0.0e+00;
	v1 =	vsub.f32 v11, v12;
	v11 =	vld [tilespmem:s20+$0x8030]  }
0xe7: {  	vm5 =	vgt.f32 v6, $0.0e+00;
	vm3 =	vgt.f32 v3, $0.0e+00;
	vm4 =	vgt.f32 v9, $0.0e+00;
	v2 =	vld [tilespmem:s20+$0x40]  }
0xe8: {  	vm6 =	vgt.f32 v10, $0.0e+00;
	v1 =	vand.u32 $0x7FFFFFFF, v1;
	v3 =	vsub.f32 v13, v14;
	v4 =	vld [tilespmem:s20+$0x8040]  }
0xe9: {  	v6 =	vsel vm6, $0x3F800000, v0;
	v1 =	vnsel vm6, $0x0, v1;
	v5 =	vsub.f32 v5, v15;
	v9 =	vld [tilespmem:s20+$0x50]  }
0xea: {  	v6 =	vadd.f32 v6, v7;
	v1 =	vadd.f32 v1, v8;
	v3 =	vand.u32 $0x7FFFFFFF, v3;
	v7 =	vld [tilespmem:s20+$0x8050]  }
0xeb: {  	v8 =	vsel vm4, $0x3F800000, v0;
	v3 =	vnsel vm4, $0x0, v3;
	v10 =	vsub.f32 v16, v11;
	v11 =	vld [tilespmem:s20+$0x60]  }
0xec: {  	v5 =	vand.u32 $0x7FFFFFFF, v5;
	v1 =	vadd.f32 v3, v1;
	v3 =	vadd.f32 v8, v6;
	v6 =	vld [tilespmem:s20+$0x8060]  }
0xed: {  	v5 =	vnsel vm5, $0x0, v5;
	v8 =	vsel vm5, $0x3F800000, v0;
	v2 =	vsub.f32 v2, v4;
	v12 =	vld [tilespmem:s20+$0x70]  }
0xee: {  	v4 =	vadd.f32 v5, v1;
	v3 =	vadd.f32 v8, v3;
	v1 =	vand.u32 $0x7FFFFFFF, v10;
	v5 =	vld [tilespmem:s20+$0x8070]  }
0xef: {  	v10 =	vsel vm3, $0x3F800000, v0;
	v8 =	vnsel vm3, $0x0, v1;
	v7 =	vsub.f32 v9, v7;
	v13 =	vld [tilespmem:s20+$0x10070];
	s20 =	sshra.s32 s21, $0x2  }
0xf0: {  	v1 =	vld [tilespmem:s20+$0x10060];
	v8 =	vadd.f32 v8, v4;
	v3 =	vadd.f32 v10, v3;
	v4 =	vand.u32 $0x7FFFFFFF, v2  }
0xf1: {  	v10 =	vsel vm2, $0x3F800000, v0;
	v2 =	vld [tilespmem:s20+$0x10050];
	v9 =	vnsel vm2, $0x0, v4;
	v11 =	vsub.f32 v11, v6  }
0xf2: {  	v6 =	vand.u32 $0x7FFFFFFF, v7;
	v4 =	vld [tilespmem:s20+$0x10040];
	v8 =	vadd.f32 v9, v8;
	v9 =	vadd.f32 v10, v3  }
0xf3: {  	v7 =	vnsel vm1, $0x0, v6;
	v10 =	vsel vm1, $0x3F800000, v0;
	v3 =	vld [tilespmem:s20+$0x10030];
	v12 =	vsub.f32 v12, v5  }
.Ltmp11:
0xf4: {  	v5 =	vand.u32 $0x7FFFFFFF, v11;
	v6 =	vld [tilespmem:s20+$0x10020];
	v7 =	vadd.f32 v7, v8;
	v8 =	vadd.f32 v10, v9;
	(pc) =	sbr.rel @p0 .LBB2_24-.Ltmp11, $4  }
0xf5: {  	v11 =	vsel vm0, $0x3F800000, v0;
	v10 =	vnsel vm0, $0x0, v5;
	vm0 =	vgt.f32 v13, $0.0e+00;
	v9 =	vld [tilespmem:s20+$0x10010]  }
0xf6: {  	v5 =	vld [tilespmem:s20+$0x20];
	v7 =	vadd.f32 v10, v7;
	v13 =	vadd.f32 v11, v8;
	v8 =	vand.u32 $0x7FFFFFFF, v12  }
0xf7: {  	v12 =	vsel vm0, $0x3F800000, v0;
	v10 =	vld [tilespmem:s20+$0x10000];
	v8 =	vnsel vm0, $0x0, v8  }
0xf8: {  	s21 =	sadd.s32 $0x400, s21;
	v11 =	vld [tilespmem:s20+$0x0];
	v8 =	vadd.f32 v8, v7;
	v7 =	vadd.f32 v12, v13  }
0xf9: {  	v12 =	vld [tilespmem:s20+$0x8000]  }
0xfa: {  	v13 =	vld [tilespmem:s20+$0x10]  }
0xfb: {  	v14 =	vld [tilespmem:s20+$0x8010];
	_ =	sdelay $0x1  }
0xfc: {  	v15 =	vld [tilespmem:s20+$0x8020]  }
0xfd: {  	v16 =	vld [tilespmem:s20+$0x30];
	vm0 =	vgt.f32 v1, $0.0e+00;
	vm2 =	vgt.f32 v4, $0.0e+00;
	v1 =	vsub.f32 v11, v12  }
0xfe: {  	v47 =	vld [tilespmem:s20+$0x8030];
	vm1 =	vgt.f32 v2, $0.0e+00;
	vm4 =	vgt.f32 v6, $0.0e+00;
	vm6 =	vgt.f32 v3, $0.0e+00  }
0xff: {  	v2 =	vld [tilespmem:s20+$0x40];
	vm5 =	vgt.f32 v10, $0.0e+00;
	v48 =	vsub.f32 v13, v14;
	v1 =	vand.u32 $0x7FFFFFFF, v1  }
0x100: {  	v3 =	vld [tilespmem:s20+$0x8040];
	vm3 =	vgt.f32 v9, $0.0e+00;
	v49 =	vsel vm5, $0x3F800000, v0;
	v1 =	vnsel vm5, $0x0, v1  }
0x101: {  	v50 =	vld [tilespmem:s20+$0x50];
	v5 =	vsub.f32 v5, v15;
	v6 =	vand.u32 $0x7FFFFFFF, v48;
	v1 =	vadd.f32 v1, v8  }
0x102: {  	v51 =	vld [tilespmem:s20+$0x8050];
	v52 =	vsel vm3, $0x3F800000, v0;
	v7 =	vadd.f32 v49, v7;
	v6 =	vnsel vm3, $0x0, v6  }
0x103: {  	v53 =	vld [tilespmem:s20+$0x60];
	v4 =	vsub.f32 v16, v47;
	v5 =	vand.u32 $0x7FFFFFFF, v5;
	v1 =	vadd.f32 v6, v1  }
0x104: {  	v55 =	vld [tilespmem:s20+$0x8060];
	v56 =	vsel vm4, $0x3F800000, v0;
	v54 =	vadd.f32 v52, v7;
	v5 =	vnsel vm4, $0x0, v5  }
0x105: {  	v58 =	vld [tilespmem:s20+$0x8070];
	v2 =	vsub.f32 v2, v3;
	v4 =	vand.u32 $0x7FFFFFFF, v4;
	v1 =	vadd.f32 v5, v1  }
0x106: {  	v59 =	vsel vm6, $0x3F800000, v0;
	v3 =	vld [tilespmem:s20+$0x70];
	v4 =	vnsel vm6, $0x0, v4;
	v57 =	vadd.f32 v56, v54  }
0x107: {  	v2 =	vand.u32 $0x7FFFFFFF, v2;
	v8 =	vsub.f32 v50, v51;
	v1 =	vadd.f32 v4, v1  }
0x108: {  	v60 =	vld [tilespmem:s20+$0x10070];
	v61 =	vsel vm2, $0x3F800000, v0;
	v2 =	vnsel vm2, $0x0, v2;
	v5 =	vadd.f32 v59, v57  }
0x109: {  	v7 =	vsub.f32 v53, v55;
	v1 =	vadd.f32 v2, v1;
	v2 =	vand.u32 $0x7FFFFFFF, v8  }
0x10a: {  	v62 =	vsel vm1, $0x3F800000, v0;
	v5 =	vadd.f32 v61, v5;
	v2 =	vnsel vm1, $0x0, v2  }
0x10b: {  	v3 =	vsub.f32 v3, v58;
	v1 =	vadd.f32 v2, v1;
	v2 =	vand.u32 $0x7FFFFFFF, v7  }
0x10c: {  	v63 =	vsel vm0, $0x3F800000, v0;
	v5 =	vadd.f32 v62, v5;
	v2 =	vnsel vm0, $0x0, v2  }
0x10d: {  	vm15 =	vgt.f32 v60, $0.0e+00;
	v1 =	vadd.f32 v2, v1;
	v2 =	vand.u32 $0x7FFFFFFF, v3  }
0x10e: {  	v3 =	vadd.f32 v63, v5;
	v2 =	vnsel vm15, $0x0, v2  }
0x10f: {  	v4 =	vsel vm15, $0x3F800000, v0;
	v1 =	vadd.f32 v2, v1  }
0x110: {  	s19 =	sadd.s32 $0x1, s19;
	v2 =	vadd.f32 v4, v3  }
0x111: {  	p0 =	sne.s32 s19, s13;
	[tilespmem:$0x18000] =	vst v1  }
.Ltmp12:
0x112: {  	[tilespmem:$0x18010] =	vst v2;
	(pc) =	sbr.rel @p0 .LBB2_1-.Ltmp12, $4  }
0x113: {  	[hbm4b:s12+s2] =	stream.linear.scatter [tilespmem:s17], [sflag:$0x4], $0x20, $0x38;
	[tilespmem:$0x18080] =	vst v63  }
0x114: {  	_ =	swait.ge [sflag:s18], $0x20  }
0x115: {  	[sflag:s18] =	ssyncset.done $0x0  }
0x116: {  	[sflag:s18] =	ssyncadd.s32 $0xFFFFFFE0  }
0x117: {  	_ =	sfence.sel $0x180000  }
0x118: {  	[bflag:$0x0] =	sbarrier.arrive $0xFFFF  }
0x119: {  	p0 =	sne.s32 s0, $0x0;
	_ =	strace $0x90000047  }
0x11a: {  	s0 =	sadd.s32 @!p0 $0x100000, s1;
	[bflag:$0x2] =	sbarrier.arrive $0xFFFF  }
0x11b: {  	[sflag:s0] =	ssyncadd.tile.s32 @!p0 $0x1;
	_ =	shalt  }
.Lfunc_end2:
_tile_overlayer_lowered:
.L_overlay_start_2:
0x11c: {  	(tag) =	ssettag $0x2  }
0x11d: {  	s0 =	rddreg [dreg:$0x0];
	s2 =	stileid.u32  }
0x11e: {  	s1 =	rddreg [dreg:$0x1];
	p0 =	sne.s32 s2, $0x0  }
0x11f: {  	s3 =	rddreg [dreg:$0x2];
	[bflag:$0x3] =	sbarrier.arrive $0xFFFF;
	s2 =	simm.s32 @!p0 $0x1C05  }
0x120: {  	[timem:s3], [sflag:s2] =	dma.local @!p0 [hbm:s0], s1  }
0x121: {  	s0 =	simm.s32 @!p0 $0x5  }
0x122: {  	_ =	swait.ge @!p0 [sflag:s0], s1  }
0x123: {  	s1 =	ssub.s32 @!p0 $0x0, s1;
	[sflag:s0] =	ssyncset.done @!p0 $0x0  }
0x124: {  	[sflag:s0] =	ssyncadd.s32 @!p0 s1  }
0x125: {  	[bflag:$0x3] =	sbarrier.arrive $0xFFFF  }
0x126: {  	_ =	shalt  }

</sc_bundles>
